<compile_context>
chip_gen: v7x
topology: tpu7x:2x2x1
jax: 0.10.2.dev20260603
libtpu: 0.0.44.dev20260713+nightly
codegen_flags: <defaults>
</compile_context>

<pallas_src>
import functools

import jax
import jax.numpy as jnp
from jax import lax
from jax.experimental import pallas as pl
from jax.experimental.pallas import tpu as pltpu
from jax.experimental.pallas import tpu_sc as plsc

_VOCAB = 100000
_DIM = 64
_B = 16384
_NEG = 20

_NC = 2
_NS = 16
_NW = _NC * _NS
_CH = 512


def _sc_gather(center_table, context_table, cidx, xidx, nidx):
    mesh = plsc.VectorSubcoreMesh(core_axis_name="c", subcore_axis_name="s")
    n_total = nidx.shape[0]
    c_per_w = _B // _NW
    n_per_w = n_total // _NW

    n_chunks = n_per_w // _CH
    _NB = 3

    @functools.partial(
        pl.kernel,
        mesh=mesh,
        compiler_params=pltpu.CompilerParams(use_tc_tiling_on_sc=False),
        out_type=[
            jax.ShapeDtypeStruct((_B, _DIM), jnp.float32),
            jax.ShapeDtypeStruct((_B, _DIM), jnp.float32),
            jax.ShapeDtypeStruct((n_total, _DIM), jnp.float32),
        ],
        scratch_types=[
            pltpu.VMEM((c_per_w,), jnp.int32),
            pltpu.VMEM((c_per_w,), jnp.int32),
            pltpu.VMEM((n_per_w,), jnp.int32),
        ] + [pltpu.VMEM((_CH, _DIM), jnp.float32)] * _NB
          + [pltpu.SemaphoreType.DMA] * (2 * _NB),
    )
    def k(ctab_hbm, xtab_hbm, cidx_hbm, xidx_hbm, nidx_hbm,
          c_out, x_out, n_out, cidx_v, xidx_v, nidx_v, *bufs_sems):
        rows = bufs_sems[:_NB]
        gsems = bufs_sems[_NB:2 * _NB]
        wsems = bufs_sems[2 * _NB:]
        wid = lax.axis_index("s") * _NC + lax.axis_index("c")
        cbase = wid * c_per_w
        nbase = wid * n_per_w

        pltpu.sync_copy(cidx_hbm.at[pl.ds(cbase, c_per_w)], cidx_v)
        pltpu.sync_copy(xidx_hbm.at[pl.ds(cbase, c_per_w)], xidx_v)
        pltpu.sync_copy(nidx_hbm.at[pl.ds(nbase, n_per_w)], nidx_v)

        chunks = [
            (ctab_hbm, cidx_v, c_out, cbase),
            (xtab_hbm, xidx_v, x_out, cbase),
        ] + [
            (xtab_hbm, nidx_v.at[pl.ds(ci * _CH, _CH)], n_out,
             nbase + ci * _CH)
            for ci in range(n_chunks)
        ]
        n_ck = len(chunks)
        pending_w = [False] * _NB

        def start_gather(ck):
            b = ck % _NB
            tab, idx, _, _ = chunks[ck]
            if pending_w[b]:
                pltpu.make_async_copy(
                    rows[b], n_out.at[pl.ds(0, _CH)], wsems[b]).wait()
                pending_w[b] = False
            pltpu.async_copy(tab.at[idx], rows[b], gsems[b])

        start_gather(0)
        start_gather(1)
        for ck in range(n_ck):
            b = ck % _NB
            tab, idx, out, base = chunks[ck]
            pltpu.make_async_copy(tab.at[idx], rows[b], gsems[b]).wait()
            pltpu.async_copy(rows[b], out.at[pl.ds(base, _CH)], wsems[b])
            pending_w[b] = True
            if ck + 2 < n_ck:
                start_gather(ck + 2)
        for b in range(_NB):
            if pending_w[b]:
                pltpu.make_async_copy(
                    rows[b], n_out.at[pl.ds(0, _CH)], wsems[b]).wait()

    return k(center_table, context_table, cidx, xidx, nidx)


_BSP = 1024
_EPS = 1e-12


def _half_selector():
    lane = lax.broadcasted_iota(jnp.int32, (2 * _DIM, 2), 0)
    col = lax.broadcasted_iota(jnp.int32, (2 * _DIM, 2), 1)
    return ((lane < _DIM) == (col == 0)).astype(jnp.float32)


def _half_dots(v, w, sel):
    return jax.lax.dot_general(
        v * w, sel, (((1,), (0,)), ((), ())),
        preferred_element_type=jnp.float32)


def _score_loss(p, ss, sign):
    s = p * jax.lax.rsqrt(jnp.maximum(ss, _EPS * _EPS))
    u = s * s
    even = 0.6931471805599453 + u * (
        0.125 + u * (-0.005208333333333333 + u * 0.00034722222222222224))
    return even + (0.5 * sign) * s


def _tc_body(c_ref, x_ref, n_ref, pos_ref, neg_ref, invc_ref, acc_ref):
    j = pl.program_id(1)
    sel = _half_selector()
    c = c_ref[...]

    @pl.when(j == 0)
    def _():
        invc = jax.lax.rsqrt(jnp.maximum(
            _half_dots(c, c, sel), _EPS * _EPS))
        invc_ref[...] = invc
        x = x_ref[...]
        pos = _score_loss(
            _half_dots(x, c, sel) * invc,
            _half_dots(x, x, sel), -1.0)
        pos_ref[...] = jnp.sum(pos).reshape(1, 1, 1)

    n = n_ref[...]
    invc = invc_ref[...]
    neg = _score_loss(
        _half_dots(n, c, sel) * invc,
        _half_dots(n, n, sel), 1.0)

    @pl.when(j == 0)
    def _():
        acc_ref[...] = jnp.zeros((_BSP, 2), jnp.float32)

    acc_ref[...] += neg

    @pl.when(j == _NEG - 1)
    def _():
        neg_ref[...] = jnp.sum(acc_ref[...]).reshape(1, 1, 1)


def _tc_loss(c_rows, x_rows, n_rows):
    c128 = c_rows.reshape(_B // 2, 2 * _DIM)
    x128 = x_rows.reshape(_B // 2, 2 * _DIM)
    n128 = n_rows.reshape(_B * _NEG // 2, 2 * _DIM)
    nb = (_B // 2) // _BSP
    pos_s, neg_s = pl.pallas_call(
        _tc_body,
        grid=(nb, _NEG),
        in_specs=[
            pl.BlockSpec((_BSP, 2 * _DIM), lambda i, j: (i, 0)),
            pl.BlockSpec((_BSP, 2 * _DIM), lambda i, j: (i, 0)),
            pl.BlockSpec((_BSP, 2 * _DIM), lambda i, j: (j * nb + i, 0)),
        ],
        out_specs=[
            pl.BlockSpec((1, 1, 1), lambda i, j: (i, 0, 0)),
            pl.BlockSpec((1, 1, 1), lambda i, j: (i, 0, 0)),
        ],
        out_shape=[
            jax.ShapeDtypeStruct((nb, 1, 1), jnp.float32),
            jax.ShapeDtypeStruct((nb, 1, 1), jnp.float32),
        ],
        scratch_shapes=[
            pltpu.VMEM((_BSP, 2), jnp.float32),
            pltpu.VMEM((_BSP, 2), jnp.float32),
        ],
        compiler_params=pltpu.CompilerParams(
            dimension_semantics=("parallel", "arbitrary")),
    )(c128, x128, n128)
    return jnp.sum(pos_s), jnp.sum(neg_s)


def kernel(center_table, context_table, center_word, context_word, negative_samples):
    cidx = jnp.clip(center_word, 0, _VOCAB - 1).astype(jnp.int32)
    xidx = jnp.clip(context_word, 0, _VOCAB - 1).astype(jnp.int32)
    nidx = jnp.clip(negative_samples, 0, _VOCAB - 1).astype(jnp.int32).T.reshape(-1)

    c_rows, x_rows, n_rows = _sc_gather(center_table, context_table, cidx, xidx, nidx)
    pos_sum, neg_sum = _tc_loss(c_rows, x_rows, n_rows)

    pos_loss = pos_sum / _B
    neg_loss = neg_sum / (_B * _NEG)
    return (pos_loss + neg_loss, pos_loss, neg_loss)

# --- scband reference (transcript-rebuilt; emitter-appended) ---
"""Pipeline reference for scband-sgnsmodel-5669356831028 (READ-ONLY COPY).

The authoritative reference and input builder live on the scoring server;
editing this copy changes nothing except your own understanding.
"""

import jax, jax.numpy as jnp
import numpy as np

VOCAB = 100000
DIM = 64
B = 16384
NEG = 20


def _normalize(x, axis):
    # torch.nn.functional.normalize with p=2, eps=1e-12
    norm = jnp.linalg.norm(x, ord=2, axis=axis, keepdims=True)
    return x / jnp.maximum(norm, 1e-12)


def setup_inputs(seed: int = 0) -> dict:
    key = jax.random.key(seed)
    k1, k2, k3, k4, k5 = jax.random.split(key, 5)
    scale = 1.0 / np.sqrt(DIM)
    center_table = jax.random.uniform(k1, (VOCAB, DIM), minval=-scale, maxval=scale, dtype=jnp.float32)
    context_table = jax.random.uniform(k2, (VOCAB, DIM), minval=-scale, maxval=scale, dtype=jnp.float32)
    center_word = jax.random.randint(k3, (B,), 0, VOCAB, dtype=jnp.int64 if jax.config.jax_enable_x64 else jnp.int32)
    context_word = jax.random.randint(k4, (B,), 0, VOCAB, dtype=jnp.int64 if jax.config.jax_enable_x64 else jnp.int32)
    negative_samples = jax.random.randint(k5, (B, NEG), 0, VOCAB, dtype=jnp.int64 if jax.config.jax_enable_x64 else jnp.int32)
    return {
        "center_table": center_table,
        "context_table": context_table,
        "center_word": center_word,
        "context_word": context_word,
        "negative_samples": negative_samples,
    }


def reference(center_table, context_table, center_word, context_word, negative_samples):
    cw = jnp.clip(center_word, 0, VOCAB - 1)
    xw = jnp.clip(context_word, 0, VOCAB - 1)
    ns = jnp.clip(negative_samples, 0, VOCAB - 1)

    center_embed = jnp.take(center_table, cw, axis=0)            # [B, D]
    context_embed = jnp.take(context_table, xw, axis=0)          # [B, D]
    center_embed = _normalize(center_embed, axis=1)
    context_embed = _normalize(context_embed, axis=1)

    pos_score = jnp.sum(center_embed * context_embed, axis=1)    # [B]
    pos_score = jnp.clip(jax.nn.sigmoid(pos_score), 1e-06, 1 - 1e-06)

    neg_embeds = jnp.take(context_table, ns, axis=0)             # [B, NEG, D]
    neg_embeds = _normalize(neg_embeds, axis=2)
    neg_score = jnp.einsum('bnd,bd->bn', neg_embeds, center_embed)  # bmm(neg, center.unsqueeze(2)).squeeze(2)
    neg_score = jnp.clip(jax.nn.sigmoid(neg_score), 1e-06, 1 - 1e-06)

    pos_loss = -jnp.mean(jnp.log(pos_score))
    neg_loss = -jnp.mean(jnp.log(1 - neg_score))
    return (pos_loss + neg_loss, pos_loss, neg_loss)

if __name__ == "__main__":
    import jax
    _d = setup_inputs()
    print(jax.jit(kernel)(*tuple(_d.values())))

</pallas_src>

<mosaic_0001>
#map = affine_map<(d0, d1) -> (0, 0)>
#map1 = affine_map<(d0, d1) -> (0)>
module attributes {stable_mosaic.version = 14 : i64} {
  func.func @k(%arg0: i32, %arg1: i32, %arg2: memref<100000x64xf32, #tpu.memory_space<hbm>>, %arg3: memref<100000x64xf32, #tpu.memory_space<hbm>>, %arg4: memref<16384xi32, #tpu.memory_space<hbm>>, %arg5: memref<16384xi32, #tpu.memory_space<hbm>>, %arg6: memref<327680xi32, #tpu.memory_space<hbm>>, %arg7: memref<16384x64xf32, #tpu.memory_space<hbm>>, %arg8: memref<16384x64xf32, #tpu.memory_space<hbm>>, %arg9: memref<327680x64xf32, #tpu.memory_space<hbm>>, %arg10: memref<512xi32, #tpu.memory_space<vmem>>, %arg11: memref<512xi32, #tpu.memory_space<vmem>>, %arg12: memref<10240xi32, #tpu.memory_space<vmem>>, %arg13: memref<512x64xf32, #tpu.memory_space<vmem>>, %arg14: memref<512x64xf32, #tpu.memory_space<vmem>>, %arg15: memref<512x64xf32, #tpu.memory_space<vmem>>, %arg16: memref<!tpu.dma_semaphore, #tpu.memory_space<semaphore_mem>>, %arg17: memref<!tpu.dma_semaphore, #tpu.memory_space<semaphore_mem>>, %arg18: memref<!tpu.dma_semaphore, #tpu.memory_space<semaphore_mem>>, %arg19: memref<!tpu.dma_semaphore, #tpu.memory_space<semaphore_mem>>, %arg20: memref<!tpu.dma_semaphore, #tpu.memory_space<semaphore_mem>>, %arg21: memref<!tpu.dma_semaphore, #tpu.memory_space<semaphore_mem>>) attributes {dimension_semantics = [#tpu.dimension_semantics<core_parallel>, #tpu.dimension_semantics<subcore_parallel>], iteration_bounds = array<i64: 2, 16>, scalar_prefetch = 0 : i64, scratch_operands = 12 : i64, tpu.core_type = #tpu.core_type<sc_vector_subcore>, window_params = [{transform_indices = #map}, {transform_indices = #map}, {transform_indices = #map1}, {transform_indices = #map1}, {transform_indices = #map1}, {transform_indices = #map}, {transform_indices = #map}, {transform_indices = #map}]} {
    %mul3A = arith.constant 2 : i32
    %mul3A_0 = arith.muli %arg1, %mul3A : i32
    %add3A = arith.addi %mul3A_0, %arg0 : i32
    %mul3A_1 = arith.constant 512 : i32
    %mul3A_2 = arith.muli %add3A, %mul3A_1 : i32
    %mul3A_3 = arith.constant 10240 : i32
    %mul3A_4 = arith.muli %add3A, %mul3A_3 : i32
    "tpu.region"() ({
      %run_scoped3A = tpu.sem_alloc : memref<!tpu.dma_semaphore, #tpu.memory_space<semaphore_mem>>
      %dma_start3A_475 = tpu.memref_slice %arg4[%mul3A_2] : memref<16384xi32, #tpu.memory_space<hbm>> -> memref<512xi32, #tpu.memory_space<hbm>>
      %dma_start3A_476 = tpu.memref_slice %arg4[%mul3A_2] : memref<16384xi32, #tpu.memory_space<hbm>> -> memref<512xi32, #tpu.memory_space<hbm>>
      tpu.enqueue_dma source(%dma_start3A_476 : memref<512xi32, #tpu.memory_space<hbm>>) target(%arg10 : memref<512xi32, #tpu.memory_space<vmem>>) target_semaphore(%run_scoped3A : memref<!tpu.dma_semaphore, #tpu.memory_space<semaphore_mem>>)
      %dma_wait3A_477 = tpu.memref_slice %arg4[%mul3A_2] : memref<16384xi32, #tpu.memory_space<hbm>> -> memref<512xi32, #tpu.memory_space<hbm>>
      %dma_wait3A_478 = tpu.memref_slice %arg4[%mul3A_2] : memref<16384xi32, #tpu.memory_space<hbm>> -> memref<512xi32, #tpu.memory_space<hbm>>
      tpu.wait_dma2 semaphore(%run_scoped3A : memref<!tpu.dma_semaphore, #tpu.memory_space<semaphore_mem>>) src(%dma_wait3A_478 : memref<512xi32, #tpu.memory_space<hbm>>) dst(%arg10 : memref<512xi32, #tpu.memory_space<vmem>>)
      tpu.yield
    }) : () -> ()
    "tpu.region"() ({
      %run_scoped3A = tpu.sem_alloc : memref<!tpu.dma_semaphore, #tpu.memory_space<semaphore_mem>>
      %dma_start3A_475 = tpu.memref_slice %arg5[%mul3A_2] : memref<16384xi32, #tpu.memory_space<hbm>> -> memref<512xi32, #tpu.memory_space<hbm>>
      %dma_start3A_476 = tpu.memref_slice %arg5[%mul3A_2] : memref<16384xi32, #tpu.memory_space<hbm>> -> memref<512xi32, #tpu.memory_space<hbm>>
      tpu.enqueue_dma source(%dma_start3A_476 : memref<512xi32, #tpu.memory_space<hbm>>) target(%arg11 : memref<512xi32, #tpu.memory_space<vmem>>) target_semaphore(%run_scoped3A : memref<!tpu.dma_semaphore, #tpu.memory_space<semaphore_mem>>)
      %dma_wait3A_477 = tpu.memref_slice %arg5[%mul3A_2] : memref<16384xi32, #tpu.memory_space<hbm>> -> memref<512xi32, #tpu.memory_space<hbm>>
      %dma_wait3A_478 = tpu.memref_slice %arg5[%mul3A_2] : memref<16384xi32, #tpu.memory_space<hbm>> -> memref<512xi32, #tpu.memory_space<hbm>>
      tpu.wait_dma2 semaphore(%run_scoped3A : memref<!tpu.dma_semaphore, #tpu.memory_space<semaphore_mem>>) src(%dma_wait3A_478 : memref<512xi32, #tpu.memory_space<hbm>>) dst(%arg11 : memref<512xi32, #tpu.memory_space<vmem>>)
      tpu.yield
    }) : () -> ()
    "tpu.region"() ({
      %run_scoped3A = tpu.sem_alloc : memref<!tpu.dma_semaphore, #tpu.memory_space<semaphore_mem>>
      %dma_start3A_475 = tpu.memref_slice %arg6[%mul3A_4] : memref<327680xi32, #tpu.memory_space<hbm>> -> memref<10240xi32, #tpu.memory_space<hbm>>
      %dma_start3A_476 = tpu.memref_slice %arg6[%mul3A_4] : memref<327680xi32, #tpu.memory_space<hbm>> -> memref<10240xi32, #tpu.memory_space<hbm>>
      tpu.enqueue_dma source(%dma_start3A_476 : memref<10240xi32, #tpu.memory_space<hbm>>) target(%arg12 : memref<10240xi32, #tpu.memory_space<vmem>>) target_semaphore(%run_scoped3A : memref<!tpu.dma_semaphore, #tpu.memory_space<semaphore_mem>>)
      %dma_wait3A_477 = tpu.memref_slice %arg6[%mul3A_4] : memref<327680xi32, #tpu.memory_space<hbm>> -> memref<10240xi32, #tpu.memory_space<hbm>>
      %dma_wait3A_478 = tpu.memref_slice %arg6[%mul3A_4] : memref<327680xi32, #tpu.memory_space<hbm>> -> memref<10240xi32, #tpu.memory_space<hbm>>
      tpu.wait_dma2 semaphore(%run_scoped3A : memref<!tpu.dma_semaphore, #tpu.memory_space<semaphore_mem>>) src(%dma_wait3A_478 : memref<10240xi32, #tpu.memory_space<hbm>>) dst(%arg12 : memref<10240xi32, #tpu.memory_space<vmem>>)
      tpu.yield
    }) : () -> ()
    %add3A_5 = arith.constant 0 : i32
    %add3A_6 = arith.addi %mul3A_4, %add3A_5 : i32
    %add3A_7 = arith.constant 512 : i32
    %add3A_8 = arith.addi %mul3A_4, %add3A_7 : i32
    %add3A_9 = arith.constant 1024 : i32
    %add3A_10 = arith.addi %mul3A_4, %add3A_9 : i32
    %add3A_11 = arith.constant 1536 : i32
    %add3A_12 = arith.addi %mul3A_4, %add3A_11 : i32
    %add3A_13 = arith.constant 2048 : i32
    %add3A_14 = arith.addi %mul3A_4, %add3A_13 : i32
    %add3A_15 = arith.constant 2560 : i32
    %add3A_16 = arith.addi %mul3A_4, %add3A_15 : i32
    %add3A_17 = arith.constant 3072 : i32
    %add3A_18 = arith.addi %mul3A_4, %add3A_17 : i32
    %add3A_19 = arith.constant 3584 : i32
    %add3A_20 = arith.addi %mul3A_4, %add3A_19 : i32
    %add3A_21 = arith.constant 4096 : i32
    %add3A_22 = arith.addi %mul3A_4, %add3A_21 : i32
    %add3A_23 = arith.constant 4608 : i32
    %add3A_24 = arith.addi %mul3A_4, %add3A_23 : i32
    %add3A_25 = arith.constant 5120 : i32
    %add3A_26 = arith.addi %mul3A_4, %add3A_25 : i32
    %add3A_27 = arith.constant 5632 : i32
    %add3A_28 = arith.addi %mul3A_4, %add3A_27 : i32
    %add3A_29 = arith.constant 6144 : i32
    %add3A_30 = arith.addi %mul3A_4, %add3A_29 : i32
    %add3A_31 = arith.constant 6656 : i32
    %add3A_32 = arith.addi %mul3A_4, %add3A_31 : i32
    %add3A_33 = arith.constant 7168 : i32
    %add3A_34 = arith.addi %mul3A_4, %add3A_33 : i32
    %add3A_35 = arith.constant 7680 : i32
    %add3A_36 = arith.addi %mul3A_4, %add3A_35 : i32
    %add3A_37 = arith.constant 8192 : i32
    %add3A_38 = arith.addi %mul3A_4, %add3A_37 : i32
    %add3A_39 = arith.constant 8704 : i32
    %add3A_40 = arith.addi %mul3A_4, %add3A_39 : i32
    %add3A_41 = arith.constant 9216 : i32
    %add3A_42 = arith.addi %mul3A_4, %add3A_41 : i32
    %add3A_43 = arith.constant 9728 : i32
    %add3A_44 = arith.addi %mul3A_4, %add3A_43 : i32
    %dma_start3A = arith.constant 0 : i32
    %dma_start3A_45 = arith.constant 0 : i32
    %dma_start3A_46 = tpu.memref_slice %arg2[%dma_start3A, %dma_start3A_45] : memref<100000x64xf32, #tpu.memory_space<hbm>> -> memref<100000x64xf32, #tpu.memory_space<hbm>>
    tpu.enqueue_indirect_dma source(%dma_start3A_46 : memref<100000x64xf32, #tpu.memory_space<hbm>>) target(%arg13 : memref<512x64xf32, #tpu.memory_space<vmem>>) offsets(%arg10 : memref<512xi32, #tpu.memory_space<vmem>>) semaphore(%arg16 : memref<!tpu.dma_semaphore, #tpu.memory_space<semaphore_mem>>)
    %dma_start3A_47 = arith.constant 0 : i32
    %dma_start3A_48 = arith.constant 0 : i32
    %dma_start3A_49 = tpu.memref_slice %arg3[%dma_start3A_47, %dma_start3A_48] : memref<100000x64xf32, #tpu.memory_space<hbm>> -> memref<100000x64xf32, #tpu.memory_space<hbm>>
    tpu.enqueue_indirect_dma source(%dma_start3A_49 : memref<100000x64xf32, #tpu.memory_space<hbm>>) target(%arg14 : memref<512x64xf32, #tpu.memory_space<vmem>>) offsets(%arg11 : memref<512xi32, #tpu.memory_space<vmem>>) semaphore(%arg17 : memref<!tpu.dma_semaphore, #tpu.memory_space<semaphore_mem>>)
    %dma_wait3A = arith.constant 0 : i32
    %dma_wait3A_50 = arith.constant 0 : i32
    %dma_wait3A_51 = tpu.memref_slice %arg2[%dma_wait3A, %dma_wait3A_50] : memref<100000x64xf32, #tpu.memory_space<hbm>> -> memref<100000x64xf32, #tpu.memory_space<hbm>>
    tpu.wait_indirect_dma semaphore(%arg16 : memref<!tpu.dma_semaphore, #tpu.memory_space<semaphore_mem>>) src(%dma_wait3A_51 : memref<100000x64xf32, #tpu.memory_space<hbm>>) dst(%arg13 : memref<512x64xf32, #tpu.memory_space<vmem>>)
    %dma_start3A_52 = arith.constant 0 : i32
    %dma_start3A_53 = tpu.memref_slice %arg7[%mul3A_2, %dma_start3A_52] : memref<16384x64xf32, #tpu.memory_space<hbm>> -> memref<512x64xf32, #tpu.memory_space<hbm>>
    %dma_start3A_54 = arith.constant 0 : i32
    %dma_start3A_55 = tpu.memref_slice %arg7[%mul3A_2, %dma_start3A_54] : memref<16384x64xf32, #tpu.memory_space<hbm>> -> memref<512x64xf32, #tpu.memory_space<hbm>>
    tpu.enqueue_dma source(%arg13 : memref<512x64xf32, #tpu.memory_space<vmem>>) target(%dma_start3A_55 : memref<512x64xf32, #tpu.memory_space<hbm>>) target_semaphore(%arg19 : memref<!tpu.dma_semaphore, #tpu.memory_space<semaphore_mem>>)
    %dma_start3A_56 = arith.constant 0 : i32
    %dma_start3A_57 = tpu.memref_slice %arg12[%dma_start3A_56] : memref<10240xi32, #tpu.memory_space<vmem>> -> memref<512xi32, #tpu.memory_space<vmem>>
    %dma_start3A_58 = arith.constant 0 : i32
    %dma_start3A_59 = arith.constant 0 : i32
    %dma_start3A_60 = tpu.memref_slice %arg3[%dma_start3A_58, %dma_start3A_59] : memref<100000x64xf32, #tpu.memory_space<hbm>> -> memref<100000x64xf32, #tpu.memory_space<hbm>>
    tpu.enqueue_indirect_dma source(%dma_start3A_60 : memref<100000x64xf32, #tpu.memory_space<hbm>>) target(%arg15 : memref<512x64xf32, #tpu.memory_space<vmem>>) offsets(%dma_start3A_57 : memref<512xi32, #tpu.memory_space<vmem>>) semaphore(%arg18 : memref<!tpu.dma_semaphore, #tpu.memory_space<semaphore_mem>>)
    %dma_wait3A_61 = arith.constant 0 : i32
    %dma_wait3A_62 = arith.constant 0 : i32
    %dma_wait3A_63 = tpu.memref_slice %arg3[%dma_wait3A_61, %dma_wait3A_62] : memref<100000x64xf32, #tpu.memory_space<hbm>> -> memref<100000x64xf32, #tpu.memory_space<hbm>>
    tpu.wait_indirect_dma semaphore(%arg17 : memref<!tpu.dma_semaphore, #tpu.memory_space<semaphore_mem>>) src(%dma_wait3A_63 : memref<100000x64xf32, #tpu.memory_space<hbm>>) dst(%arg14 : memref<512x64xf32, #tpu.memory_space<vmem>>)
    %dma_start3A_64 = arith.constant 0 : i32
    %dma_start3A_65 = tpu.memref_slice %arg8[%mul3A_2, %dma_start3A_64] : memref<16384x64xf32, #tpu.memory_space<hbm>> -> memref<512x64xf32, #tpu.memory_space<hbm>>
    %dma_start3A_66 = arith.constant 0 : i32
    %dma_start3A_67 = tpu.memref_slice %arg8[%mul3A_2, %dma_start3A_66] : memref<16384x64xf32, #tpu.memory_space<hbm>> -> memref<512x64xf32, #tpu.memory_space<hbm>>
    tpu.enqueue_dma source(%arg14 : memref<512x64xf32, #tpu.memory_space<vmem>>) target(%dma_start3A_67 : memref<512x64xf32, #tpu.memory_space<hbm>>) target_semaphore(%arg20 : memref<!tpu.dma_semaphore, #tpu.memory_space<semaphore_mem>>)
    %dma_wait3A_68 = arith.constant 0 : i32
    %dma_wait3A_69 = arith.constant 0 : i32
    %dma_wait3A_70 = tpu.memref_slice %arg9[%dma_wait3A_68, %dma_wait3A_69] : memref<327680x64xf32, #tpu.memory_space<hbm>> -> memref<512x64xf32, #tpu.memory_space<hbm>>
    %dma_wait3A_71 = arith.constant 0 : i32
    %dma_wait3A_72 = arith.constant 0 : i32
    %dma_wait3A_73 = tpu.memref_slice %arg9[%dma_wait3A_71, %dma_wait3A_72] : memref<327680x64xf32, #tpu.memory_space<hbm>> -> memref<512x64xf32, #tpu.memory_space<hbm>>
    tpu.wait_dma2 semaphore(%arg19 : memref<!tpu.dma_semaphore, #tpu.memory_space<semaphore_mem>>) src(%arg13 : memref<512x64xf32, #tpu.memory_space<vmem>>) dst(%dma_wait3A_73 : memref<512x64xf32, #tpu.memory_space<hbm>>)
    %dma_start3A_74 = arith.constant 512 : i32
    %dma_start3A_75 = tpu.memref_slice %arg12[%dma_start3A_74] : memref<10240xi32, #tpu.memory_space<vmem>> -> memref<512xi32, #tpu.memory_space<vmem>>
    %dma_start3A_76 = arith.constant 0 : i32
    %dma_start3A_77 = arith.constant 0 : i32
    %dma_start3A_78 = tpu.memref_slice %arg3[%dma_start3A_76, %dma_start3A_77] : memref<100000x64xf32, #tpu.memory_space<hbm>> -> memref<100000x64xf32, #tpu.memory_space<hbm>>
    tpu.enqueue_indirect_dma source(%dma_start3A_78 : memref<100000x64xf32, #tpu.memory_space<hbm>>) target(%arg13 : memref<512x64xf32, #tpu.memory_space<vmem>>) offsets(%dma_start3A_75 : memref<512xi32, #tpu.memory_space<vmem>>) semaphore(%arg16 : memref<!tpu.dma_semaphore, #tpu.memory_space<semaphore_mem>>)
    %dma_wait3A_79 = arith.constant 0 : i32
    %dma_wait3A_80 = tpu.memref_slice %arg12[%dma_wait3A_79] : memref<10240xi32, #tpu.memory_space<vmem>> -> memref<512xi32, #tpu.memory_space<vmem>>
    %dma_wait3A_81 = arith.constant 0 : i32
    %dma_wait3A_82 = arith.constant 0 : i32
    %dma_wait3A_83 = tpu.memref_slice %arg3[%dma_wait3A_81, %dma_wait3A_82] : memref<100000x64xf32, #tpu.memory_space<hbm>> -> memref<100000x64xf32, #tpu.memory_space<hbm>>
    tpu.wait_indirect_dma semaphore(%arg18 : memref<!tpu.dma_semaphore, #tpu.memory_space<semaphore_mem>>) src(%dma_wait3A_83 : memref<100000x64xf32, #tpu.memory_space<hbm>>) dst(%arg15 : memref<512x64xf32, #tpu.memory_space<vmem>>)
    %dma_start3A_84 = arith.constant 0 : i32
    %dma_start3A_85 = tpu.memref_slice %arg9[%add3A_6, %dma_start3A_84] : memref<327680x64xf32, #tpu.memory_space<hbm>> -> memref<512x64xf32, #tpu.memory_space<hbm>>
    %dma_start3A_86 = arith.constant 0 : i32
    %dma_start3A_87 = tpu.memref_slice %arg9[%add3A_6, %dma_start3A_86] : memref<327680x64xf32, #tpu.memory_space<hbm>> -> memref<512x64xf32, #tpu.memory_space<hbm>>
    tpu.enqueue_dma source(%arg15 : memref<512x64xf32, #tpu.memory_space<vmem>>) target(%dma_start3A_87 : memref<512x64xf32, #tpu.memory_space<hbm>>) target_semaphore(%arg21 : memref<!tpu.dma_semaphore, #tpu.memory_space<semaphore_mem>>)
    %dma_wait3A_88 = arith.constant 0 : i32
    %dma_wait3A_89 = arith.constant 0 : i32
    %dma_wait3A_90 = tpu.memref_slice %arg9[%dma_wait3A_88, %dma_wait3A_89] : memref<327680x64xf32, #tpu.memory_space<hbm>> -> memref<512x64xf32, #tpu.memory_space<hbm>>
    %dma_wait3A_91 = arith.constant 0 : i32
    %dma_wait3A_92 = arith.constant 0 : i32
    %dma_wait3A_93 = tpu.memref_slice %arg9[%dma_wait3A_91, %dma_wait3A_92] : memref<327680x64xf32, #tpu.memory_space<hbm>> -> memref<512x64xf32, #tpu.memory_space<hbm>>
    tpu.wait_dma2 semaphore(%arg20 : memref<!tpu.dma_semaphore, #tpu.memory_space<semaphore_mem>>) src(%arg14 : memref<512x64xf32, #tpu.memory_space<vmem>>) dst(%dma_wait3A_93 : memref<512x64xf32, #tpu.memory_space<hbm>>)
    %dma_start3A_94 = arith.constant 1024 : i32
    %dma_start3A_95 = tpu.memref_slice %arg12[%dma_start3A_94] : memref<10240xi32, #tpu.memory_space<vmem>> -> memref<512xi32, #tpu.memory_space<vmem>>
    %dma_start3A_96 = arith.constant 0 : i32
    %dma_start3A_97 = arith.constant 0 : i32
    %dma_start3A_98 = tpu.memref_slice %arg3[%dma_start3A_96, %dma_start3A_97] : memref<100000x64xf32, #tpu.memory_space<hbm>> -> memref<100000x64xf32, #tpu.memory_space<hbm>>
    tpu.enqueue_indirect_dma source(%dma_start3A_98 : memref<100000x64xf32, #tpu.memory_space<hbm>>) target(%arg14 : memref<512x64xf32, #tpu.memory_space<vmem>>) offsets(%dma_start3A_95 : memref<512xi32, #tpu.memory_space<vmem>>) semaphore(%arg17 : memref<!tpu.dma_semaphore, #tpu.memory_space<semaphore_mem>>)
    %dma_wait3A_99 = arith.constant 512 : i32
    %dma_wait3A_100 = tpu.memref_slice %arg12[%dma_wait3A_99] : memref<10240xi32, #tpu.memory_space<vmem>> -> memref<512xi32, #tpu.memory_space<vmem>>
    %dma_wait3A_101 = arith.constant 0 : i32
    %dma_wait3A_102 = arith.constant 0 : i32
    %dma_wait3A_103 = tpu.memref_slice %arg3[%dma_wait3A_101, %dma_wait3A_102] : memref<100000x64xf32, #tpu.memory_space<hbm>> -> memref<100000x64xf32, #tpu.memory_space<hbm>>
    tpu.wait_indirect_dma semaphore(%arg16 : memref<!tpu.dma_semaphore, #tpu.memory_space<semaphore_mem>>) src(%dma_wait3A_103 : memref<100000x64xf32, #tpu.memory_space<hbm>>) dst(%arg13 : memref<512x64xf32, #tpu.memory_space<vmem>>)
    %dma_start3A_104 = arith.constant 0 : i32
    %dma_start3A_105 = tpu.memref_slice %arg9[%add3A_8, %dma_start3A_104] : memref<327680x64xf32, #tpu.memory_space<hbm>> -> memref<512x64xf32, #tpu.memory_space<hbm>>
    %dma_start3A_106 = arith.constant 0 : i32
    %dma_start3A_107 = tpu.memref_slice %arg9[%add3A_8, %dma_start3A_106] : memref<327680x64xf32, #tpu.memory_space<hbm>> -> memref<512x64xf32, #tpu.memory_space<hbm>>
    tpu.enqueue_dma source(%arg13 : memref<512x64xf32, #tpu.memory_space<vmem>>) target(%dma_start3A_107 : memref<512x64xf32, #tpu.memory_space<hbm>>) target_semaphore(%arg19 : memref<!tpu.dma_semaphore, #tpu.memory_space<semaphore_mem>>)
    %dma_wait3A_108 = arith.constant 0 : i32
    %dma_wait3A_109 = arith.constant 0 : i32
    %dma_wait3A_110 = tpu.memref_slice %arg9[%dma_wait3A_108, %dma_wait3A_109] : memref<327680x64xf32, #tpu.memory_space<hbm>> -> memref<512x64xf32, #tpu.memory_space<hbm>>
    %dma_wait3A_111 = arith.constant 0 : i32
    %dma_wait3A_112 = arith.constant 0 : i32
    %dma_wait3A_113 = tpu.memref_slice %arg9[%dma_wait3A_111, %dma_wait3A_112] : memref<327680x64xf32, #tpu.memory_space<hbm>> -> memref<512x64xf32, #tpu.memory_space<hbm>>
    tpu.wait_dma2 semaphore(%arg21 : memref<!tpu.dma_semaphore, #tpu.memory_space<semaphore_mem>>) src(%arg15 : memref<512x64xf32, #tpu.memory_space<vmem>>) dst(%dma_wait3A_113 : memref<512x64xf32, #tpu.memory_space<hbm>>)
    %dma_start3A_114 = arith.constant 1536 : i32
    %dma_start3A_115 = tpu.memref_slice %arg12[%dma_start3A_114] : memref<10240xi32, #tpu.memory_space<vmem>> -> memref<512xi32, #tpu.memory_space<vmem>>
    %dma_start3A_116 = arith.constant 0 : i32
    %dma_start3A_117 = arith.constant 0 : i32
    %dma_start3A_118 = tpu.memref_slice %arg3[%dma_start3A_116, %dma_start3A_117] : memref<100000x64xf32, #tpu.memory_space<hbm>> -> memref<100000x64xf32, #tpu.memory_space<hbm>>
    tpu.enqueue_indirect_dma source(%dma_start3A_118 : memref<100000x64xf32, #tpu.memory_space<hbm>>) target(%arg15 : memref<512x64xf32, #tpu.memory_space<vmem>>) offsets(%dma_start3A_115 : memref<512xi32, #tpu.memory_space<vmem>>) semaphore(%arg18 : memref<!tpu.dma_semaphore, #tpu.memory_space<semaphore_mem>>)
    %dma_wait3A_119 = arith.constant 1024 : i32
    %dma_wait3A_120 = tpu.memref_slice %arg12[%dma_wait3A_119] : memref<10240xi32, #tpu.memory_space<vmem>> -> memref<512xi32, #tpu.memory_space<vmem>>
    %dma_wait3A_121 = arith.constant 0 : i32
    %dma_wait3A_122 = arith.constant 0 : i32
    %dma_wait3A_123 = tpu.memref_slice %arg3[%dma_wait3A_121, %dma_wait3A_122] : memref<100000x64xf32, #tpu.memory_space<hbm>> -> memref<100000x64xf32, #tpu.memory_space<hbm>>
    tpu.wait_indirect_dma semaphore(%arg17 : memref<!tpu.dma_semaphore, #tpu.memory_space<semaphore_mem>>) src(%dma_wait3A_123 : memref<100000x64xf32, #tpu.memory_space<hbm>>) dst(%arg14 : memref<512x64xf32, #tpu.memory_space<vmem>>)
    %dma_start3A_124 = arith.constant 0 : i32
    %dma_start3A_125 = tpu.memref_slice %arg9[%add3A_10, %dma_start3A_124] : memref<327680x64xf32, #tpu.memory_space<hbm>> -> memref<512x64xf32, #tpu.memory_space<hbm>>
    %dma_start3A_126 = arith.constant 0 : i32
    %dma_start3A_127 = tpu.memref_slice %arg9[%add3A_10, %dma_start3A_126] : memref<327680x64xf32, #tpu.memory_space<hbm>> -> memref<512x64xf32, #tpu.memory_space<hbm>>
    tpu.enqueue_dma source(%arg14 : memref<512x64xf32, #tpu.memory_space<vmem>>) target(%dma_start3A_127 : memref<512x64xf32, #tpu.memory_space<hbm>>) target_semaphore(%arg20 : memref<!tpu.dma_semaphore, #tpu.memory_space<semaphore_mem>>)
    %dma_wait3A_128 = arith.constant 0 : i32
    %dma_wait3A_129 = arith.constant 0 : i32
    %dma_wait3A_130 = tpu.memref_slice %arg9[%dma_wait3A_128, %dma_wait3A_129] : memref<327680x64xf32, #tpu.memory_space<hbm>> -> memref<512x64xf32, #tpu.memory_space<hbm>>
    %dma_wait3A_131 = arith.constant 0 : i32
    %dma_wait3A_132 = arith.constant 0 : i32
    %dma_wait3A_133 = tpu.memref_slice %arg9[%dma_wait3A_131, %dma_wait3A_132] : memref<327680x64xf32, #tpu.memory_space<hbm>> -> memref<512x64xf32, #tpu.memory_space<hbm>>
    tpu.wait_dma2 semaphore(%arg19 : memref<!tpu.dma_semaphore, #tpu.memory_space<semaphore_mem>>) src(%arg13 : memref<512x64xf32, #tpu.memory_space<vmem>>) dst(%dma_wait3A_133 : memref<512x64xf32, #tpu.memory_space<hbm>>)
    %dma_start3A_134 = arith.constant 2048 : i32
    %dma_start3A_135 = tpu.memref_slice %arg12[%dma_start3A_134] : memref<10240xi32, #tpu.memory_space<vmem>> -> memref<512xi32, #tpu.memory_space<vmem>>
    %dma_start3A_136 = arith.constant 0 : i32
    %dma_start3A_137 = arith.constant 0 : i32
    %dma_start3A_138 = tpu.memref_slice %arg3[%dma_start3A_136, %dma_start3A_137] : memref<100000x64xf32, #tpu.memory_space<hbm>> -> memref<100000x64xf32, #tpu.memory_space<hbm>>
    tpu.enqueue_indirect_dma source(%dma_start3A_138 : memref<100000x64xf32, #tpu.memory_space<hbm>>) target(%arg13 : memref<512x64xf32, #tpu.memory_space<vmem>>) offsets(%dma_start3A_135 : memref<512xi32, #tpu.memory_space<vmem>>) semaphore(%arg16 : memref<!tpu.dma_semaphore, #tpu.memory_space<semaphore_mem>>)
    %dma_wait3A_139 = arith.constant 1536 : i32
    %dma_wait3A_140 = tpu.memref_slice %arg12[%dma_wait3A_139] : memref<10240xi32, #tpu.memory_space<vmem>> -> memref<512xi32, #tpu.memory_space<vmem>>
    %dma_wait3A_141 = arith.constant 0 : i32
    %dma_wait3A_142 = arith.constant 0 : i32
    %dma_wait3A_143 = tpu.memref_slice %arg3[%dma_wait3A_141, %dma_wait3A_142] : memref<100000x64xf32, #tpu.memory_space<hbm>> -> memref<100000x64xf32, #tpu.memory_space<hbm>>
    tpu.wait_indirect_dma semaphore(%arg18 : memref<!tpu.dma_semaphore, #tpu.memory_space<semaphore_mem>>) src(%dma_wait3A_143 : memref<100000x64xf32, #tpu.memory_space<hbm>>) dst(%arg15 : memref<512x64xf32, #tpu.memory_space<vmem>>)
    %dma_start3A_144 = arith.constant 0 : i32
    %dma_start3A_145 = tpu.memref_slice %arg9[%add3A_12, %dma_start3A_144] : memref<327680x64xf32, #tpu.memory_space<hbm>> -> memref<512x64xf32, #tpu.memory_space<hbm>>
    %dma_start3A_146 = arith.constant 0 : i32
    %dma_start3A_147 = tpu.memref_slice %arg9[%add3A_12, %dma_start3A_146] : memref<327680x64xf32, #tpu.memory_space<hbm>> -> memref<512x64xf32, #tpu.memory_space<hbm>>
    tpu.enqueue_dma source(%arg15 : memref<512x64xf32, #tpu.memory_space<vmem>>) target(%dma_start3A_147 : memref<512x64xf32, #tpu.memory_space<hbm>>) target_semaphore(%arg21 : memref<!tpu.dma_semaphore, #tpu.memory_space<semaphore_mem>>)
    %dma_wait3A_148 = arith.constant 0 : i32
    %dma_wait3A_149 = arith.constant 0 : i32
    %dma_wait3A_150 = tpu.memref_slice %arg9[%dma_wait3A_148, %dma_wait3A_149] : memref<327680x64xf32, #tpu.memory_space<hbm>> -> memref<512x64xf32, #tpu.memory_space<hbm>>
    %dma_wait3A_151 = arith.constant 0 : i32
    %dma_wait3A_152 = arith.constant 0 : i32
    %dma_wait3A_153 = tpu.memref_slice %arg9[%dma_wait3A_151, %dma_wait3A_152] : memref<327680x64xf32, #tpu.memory_space<hbm>> -> memref<512x64xf32, #tpu.memory_space<hbm>>
    tpu.wait_dma2 semaphore(%arg20 : memref<!tpu.dma_semaphore, #tpu.memory_space<semaphore_mem>>) src(%arg14 : memref<512x64xf32, #tpu.memory_space<vmem>>) dst(%dma_wait3A_153 : memref<512x64xf32, #tpu.memory_space<hbm>>)
    %dma_start3A_154 = arith.constant 2560 : i32
    %dma_start3A_155 = tpu.memref_slice %arg12[%dma_start3A_154] : memref<10240xi32, #tpu.memory_space<vmem>> -> memref<512xi32, #tpu.memory_space<vmem>>
    %dma_start3A_156 = arith.constant 0 : i32
    %dma_start3A_157 = arith.constant 0 : i32
    %dma_start3A_158 = tpu.memref_slice %arg3[%dma_start3A_156, %dma_start3A_157] : memref<100000x64xf32, #tpu.memory_space<hbm>> -> memref<100000x64xf32, #tpu.memory_space<hbm>>
    tpu.enqueue_indirect_dma source(%dma_start3A_158 : memref<100000x64xf32, #tpu.memory_space<hbm>>) target(%arg14 : memref<512x64xf32, #tpu.memory_space<vmem>>) offsets(%dma_start3A_155 : memref<512xi32, #tpu.memory_space<vmem>>) semaphore(%arg17 : memref<!tpu.dma_semaphore, #tpu.memory_space<semaphore_mem>>)
    %dma_wait3A_159 = arith.constant 2048 : i32
    %dma_wait3A_160 = tpu.memref_slice %arg12[%dma_wait3A_159] : memref<10240xi32, #tpu.memory_space<vmem>> -> memref<512xi32, #tpu.memory_space<vmem>>
    %dma_wait3A_161 = arith.constant 0 : i32
    %dma_wait3A_162 = arith.constant 0 : i32
    %dma_wait3A_163 = tpu.memref_slice %arg3[%dma_wait3A_161, %dma_wait3A_162] : memref<100000x64xf32, #tpu.memory_space<hbm>> -> memref<100000x64xf32, #tpu.memory_space<hbm>>
    tpu.wait_indirect_dma semaphore(%arg16 : memref<!tpu.dma_semaphore, #tpu.memory_space<semaphore_mem>>) src(%dma_wait3A_163 : memref<100000x64xf32, #tpu.memory_space<hbm>>) dst(%arg13 : memref<512x64xf32, #tpu.memory_space<vmem>>)
    %dma_start3A_164 = arith.constant 0 : i32
    %dma_start3A_165 = tpu.memref_slice %arg9[%add3A_14, %dma_start3A_164] : memref<327680x64xf32, #tpu.memory_space<hbm>> -> memref<512x64xf32, #tpu.memory_space<hbm>>
    %dma_start3A_166 = arith.constant 0 : i32
    %dma_start3A_167 = tpu.memref_slice %arg9[%add3A_14, %dma_start3A_166] : memref<327680x64xf32, #tpu.memory_space<hbm>> -> memref<512x64xf32, #tpu.memory_space<hbm>>
    tpu.enqueue_dma source(%arg13 : memref<512x64xf32, #tpu.memory_space<vmem>>) target(%dma_start3A_167 : memref<512x64xf32, #tpu.memory_space<hbm>>) target_semaphore(%arg19 : memref<!tpu.dma_semaphore, #tpu.memory_space<semaphore_mem>>)
    %dma_wait3A_168 = arith.constant 0 : i32
    %dma_wait3A_169 = arith.constant 0 : i32
    %dma_wait3A_170 = tpu.memref_slice %arg9[%dma_wait3A_168, %dma_wait3A_169] : memref<327680x64xf32, #tpu.memory_space<hbm>> -> memref<512x64xf32, #tpu.memory_space<hbm>>
    %dma_wait3A_171 = arith.constant 0 : i32
    %dma_wait3A_172 = arith.constant 0 : i32
    %dma_wait3A_173 = tpu.memref_slice %arg9[%dma_wait3A_171, %dma_wait3A_172] : memref<327680x64xf32, #tpu.memory_space<hbm>> -> memref<512x64xf32, #tpu.memory_space<hbm>>
    tpu.wait_dma2 semaphore(%arg21 : memref<!tpu.dma_semaphore, #tpu.memory_space<semaphore_mem>>) src(%arg15 : memref<512x64xf32, #tpu.memory_space<vmem>>) dst(%dma_wait3A_173 : memref<512x64xf32, #tpu.memory_space<hbm>>)
    %dma_start3A_174 = arith.constant 3072 : i32
    %dma_start3A_175 = tpu.memref_slice %arg12[%dma_start3A_174] : memref<10240xi32, #tpu.memory_space<vmem>> -> memref<512xi32, #tpu.memory_space<vmem>>
    %dma_start3A_176 = arith.constant 0 : i32
    %dma_start3A_177 = arith.constant 0 : i32
    %dma_start3A_178 = tpu.memref_slice %arg3[%dma_start3A_176, %dma_start3A_177] : memref<100000x64xf32, #tpu.memory_space<hbm>> -> memref<100000x64xf32, #tpu.memory_space<hbm>>
    tpu.enqueue_indirect_dma source(%dma_start3A_178 : memref<100000x64xf32, #tpu.memory_space<hbm>>) target(%arg15 : memref<512x64xf32, #tpu.memory_space<vmem>>) offsets(%dma_start3A_175 : memref<512xi32, #tpu.memory_space<vmem>>) semaphore(%arg18 : memref<!tpu.dma_semaphore, #tpu.memory_space<semaphore_mem>>)
    %dma_wait3A_179 = arith.constant 2560 : i32
    %dma_wait3A_180 = tpu.memref_slice %arg12[%dma_wait3A_179] : memref<10240xi32, #tpu.memory_space<vmem>> -> memref<512xi32, #tpu.memory_space<vmem>>
    %dma_wait3A_181 = arith.constant 0 : i32
    %dma_wait3A_182 = arith.constant 0 : i32
    %dma_wait3A_183 = tpu.memref_slice %arg3[%dma_wait3A_181, %dma_wait3A_182] : memref<100000x64xf32, #tpu.memory_space<hbm>> -> memref<100000x64xf32, #tpu.memory_space<hbm>>
    tpu.wait_indirect_dma semaphore(%arg17 : memref<!tpu.dma_semaphore, #tpu.memory_space<semaphore_mem>>) src(%dma_wait3A_183 : memref<100000x64xf32, #tpu.memory_space<hbm>>) dst(%arg14 : memref<512x64xf32, #tpu.memory_space<vmem>>)
    %dma_start3A_184 = arith.constant 0 : i32
    %dma_start3A_185 = tpu.memref_slice %arg9[%add3A_16, %dma_start3A_184] : memref<327680x64xf32, #tpu.memory_space<hbm>> -> memref<512x64xf32, #tpu.memory_space<hbm>>
    %dma_start3A_186 = arith.constant 0 : i32
    %dma_start3A_187 = tpu.memref_slice %arg9[%add3A_16, %dma_start3A_186] : memref<327680x64xf32, #tpu.memory_space<hbm>> -> memref<512x64xf32, #tpu.memory_space<hbm>>
    tpu.enqueue_dma source(%arg14 : memref<512x64xf32, #tpu.memory_space<vmem>>) target(%dma_start3A_187 : memref<512x64xf32, #tpu.memory_space<hbm>>) target_semaphore(%arg20 : memref<!tpu.dma_semaphore, #tpu.memory_space<semaphore_mem>>)
    %dma_wait3A_188 = arith.constant 0 : i32
    %dma_wait3A_189 = arith.constant 0 : i32
    %dma_wait3A_190 = tpu.memref_slice %arg9[%dma_wait3A_188, %dma_wait3A_189] : memref<327680x64xf32, #tpu.memory_space<hbm>> -> memref<512x64xf32, #tpu.memory_space<hbm>>
    %dma_wait3A_191 = arith.constant 0 : i32
    %dma_wait3A_192 = arith.constant 0 : i32
    %dma_wait3A_193 = tpu.memref_slice %arg9[%dma_wait3A_191, %dma_wait3A_192] : memref<327680x64xf32, #tpu.memory_space<hbm>> -> memref<512x64xf32, #tpu.memory_space<hbm>>
    tpu.wait_dma2 semaphore(%arg19 : memref<!tpu.dma_semaphore, #tpu.memory_space<semaphore_mem>>) src(%arg13 : memref<512x64xf32, #tpu.memory_space<vmem>>) dst(%dma_wait3A_193 : memref<512x64xf32, #tpu.memory_space<hbm>>)
    %dma_start3A_194 = arith.constant 3584 : i32
    %dma_start3A_195 = tpu.memref_slice %arg12[%dma_start3A_194] : memref<10240xi32, #tpu.memory_space<vmem>> -> memref<512xi32, #tpu.memory_space<vmem>>
    %dma_start3A_196 = arith.constant 0 : i32
    %dma_start3A_197 = arith.constant 0 : i32
    %dma_start3A_198 = tpu.memref_slice %arg3[%dma_start3A_196, %dma_start3A_197] : memref<100000x64xf32, #tpu.memory_space<hbm>> -> memref<100000x64xf32, #tpu.memory_space<hbm>>
    tpu.enqueue_indirect_dma source(%dma_start3A_198 : memref<100000x64xf32, #tpu.memory_space<hbm>>) target(%arg13 : memref<512x64xf32, #tpu.memory_space<vmem>>) offsets(%dma_start3A_195 : memref<512xi32, #tpu.memory_space<vmem>>) semaphore(%arg16 : memref<!tpu.dma_semaphore, #tpu.memory_space<semaphore_mem>>)
    %dma_wait3A_199 = arith.constant 3072 : i32
    %dma_wait3A_200 = tpu.memref_slice %arg12[%dma_wait3A_199] : memref<10240xi32, #tpu.memory_space<vmem>> -> memref<512xi32, #tpu.memory_space<vmem>>
    %dma_wait3A_201 = arith.constant 0 : i32
    %dma_wait3A_202 = arith.constant 0 : i32
    %dma_wait3A_203 = tpu.memref_slice %arg3[%dma_wait3A_201, %dma_wait3A_202] : memref<100000x64xf32, #tpu.memory_space<hbm>> -> memref<100000x64xf32, #tpu.memory_space<hbm>>
    tpu.wait_indirect_dma semaphore(%arg18 : memref<!tpu.dma_semaphore, #tpu.memory_space<semaphore_mem>>) src(%dma_wait3A_203 : memref<100000x64xf32, #tpu.memory_space<hbm>>) dst(%arg15 : memref<512x64xf32, #tpu.memory_space<vmem>>)
    %dma_start3A_204 = arith.constant 0 : i32
    %dma_start3A_205 = tpu.memref_slice %arg9[%add3A_18, %dma_start3A_204] : memref<327680x64xf32, #tpu.memory_space<hbm>> -> memref<512x64xf32, #tpu.memory_space<hbm>>
    %dma_start3A_206 = arith.constant 0 : i32
    %dma_start3A_207 = tpu.memref_slice %arg9[%add3A_18, %dma_start3A_206] : memref<327680x64xf32, #tpu.memory_space<hbm>> -> memref<512x64xf32, #tpu.memory_space<hbm>>
    tpu.enqueue_dma source(%arg15 : memref<512x64xf32, #tpu.memory_space<vmem>>) target(%dma_start3A_207 : memref<512x64xf32, #tpu.memory_space<hbm>>) target_semaphore(%arg21 : memref<!tpu.dma_semaphore, #tpu.memory_space<semaphore_mem>>)
    %dma_wait3A_208 = arith.constant 0 : i32
    %dma_wait3A_209 = arith.constant 0 : i32
    %dma_wait3A_210 = tpu.memref_slice %arg9[%dma_wait3A_208, %dma_wait3A_209] : memref<327680x64xf32, #tpu.memory_space<hbm>> -> memref<512x64xf32, #tpu.memory_space<hbm>>
    %dma_wait3A_211 = arith.constant 0 : i32
    %dma_wait3A_212 = arith.constant 0 : i32
    %dma_wait3A_213 = tpu.memref_slice %arg9[%dma_wait3A_211, %dma_wait3A_212] : memref<327680x64xf32, #tpu.memory_space<hbm>> -> memref<512x64xf32, #tpu.memory_space<hbm>>
    tpu.wait_dma2 semaphore(%arg20 : memref<!tpu.dma_semaphore, #tpu.memory_space<semaphore_mem>>) src(%arg14 : memref<512x64xf32, #tpu.memory_space<vmem>>) dst(%dma_wait3A_213 : memref<512x64xf32, #tpu.memory_space<hbm>>)
    %dma_start3A_214 = arith.constant 4096 : i32
    %dma_start3A_215 = tpu.memref_slice %arg12[%dma_start3A_214] : memref<10240xi32, #tpu.memory_space<vmem>> -> memref<512xi32, #tpu.memory_space<vmem>>
    %dma_start3A_216 = arith.constant 0 : i32
    %dma_start3A_217 = arith.constant 0 : i32
    %dma_start3A_218 = tpu.memref_slice %arg3[%dma_start3A_216, %dma_start3A_217] : memref<100000x64xf32, #tpu.memory_space<hbm>> -> memref<100000x64xf32, #tpu.memory_space<hbm>>
    tpu.enqueue_indirect_dma source(%dma_start3A_218 : memref<100000x64xf32, #tpu.memory_space<hbm>>) target(%arg14 : memref<512x64xf32, #tpu.memory_space<vmem>>) offsets(%dma_start3A_215 : memref<512xi32, #tpu.memory_space<vmem>>) semaphore(%arg17 : memref<!tpu.dma_semaphore, #tpu.memory_space<semaphore_mem>>)
    %dma_wait3A_219 = arith.constant 3584 : i32
    %dma_wait3A_220 = tpu.memref_slice %arg12[%dma_wait3A_219] : memref<10240xi32, #tpu.memory_space<vmem>> -> memref<512xi32, #tpu.memory_space<vmem>>
    %dma_wait3A_221 = arith.constant 0 : i32
    %dma_wait3A_222 = arith.constant 0 : i32
    %dma_wait3A_223 = tpu.memref_slice %arg3[%dma_wait3A_221, %dma_wait3A_222] : memref<100000x64xf32, #tpu.memory_space<hbm>> -> memref<100000x64xf32, #tpu.memory_space<hbm>>
    tpu.wait_indirect_dma semaphore(%arg16 : memref<!tpu.dma_semaphore, #tpu.memory_space<semaphore_mem>>) src(%dma_wait3A_223 : memref<100000x64xf32, #tpu.memory_space<hbm>>) dst(%arg13 : memref<512x64xf32, #tpu.memory_space<vmem>>)
    %dma_start3A_224 = arith.constant 0 : i32
    %dma_start3A_225 = tpu.memref_slice %arg9[%add3A_20, %dma_start3A_224] : memref<327680x64xf32, #tpu.memory_space<hbm>> -> memref<512x64xf32, #tpu.memory_space<hbm>>
    %dma_start3A_226 = arith.constant 0 : i32
    %dma_start3A_227 = tpu.memref_slice %arg9[%add3A_20, %dma_start3A_226] : memref<327680x64xf32, #tpu.memory_space<hbm>> -> memref<512x64xf32, #tpu.memory_space<hbm>>
    tpu.enqueue_dma source(%arg13 : memref<512x64xf32, #tpu.memory_space<vmem>>) target(%dma_start3A_227 : memref<512x64xf32, #tpu.memory_space<hbm>>) target_semaphore(%arg19 : memref<!tpu.dma_semaphore, #tpu.memory_space<semaphore_mem>>)
    %dma_wait3A_228 = arith.constant 0 : i32
    %dma_wait3A_229 = arith.constant 0 : i32
    %dma_wait3A_230 = tpu.memref_slice %arg9[%dma_wait3A_228, %dma_wait3A_229] : memref<327680x64xf32, #tpu.memory_space<hbm>> -> memref<512x64xf32, #tpu.memory_space<hbm>>
    %dma_wait3A_231 = arith.constant 0 : i32
    %dma_wait3A_232 = arith.constant 0 : i32
    %dma_wait3A_233 = tpu.memref_slice %arg9[%dma_wait3A_231, %dma_wait3A_232] : memref<327680x64xf32, #tpu.memory_space<hbm>> -> memref<512x64xf32, #tpu.memory_space<hbm>>
    tpu.wait_dma2 semaphore(%arg21 : memref<!tpu.dma_semaphore, #tpu.memory_space<semaphore_mem>>) src(%arg15 : memref<512x64xf32, #tpu.memory_space<vmem>>) dst(%dma_wait3A_233 : memref<512x64xf32, #tpu.memory_space<hbm>>)
    %dma_start3A_234 = arith.constant 4608 : i32
    %dma_start3A_235 = tpu.memref_slice %arg12[%dma_start3A_234] : memref<10240xi32, #tpu.memory_space<vmem>> -> memref<512xi32, #tpu.memory_space<vmem>>
    %dma_start3A_236 = arith.constant 0 : i32
    %dma_start3A_237 = arith.constant 0 : i32
    %dma_start3A_238 = tpu.memref_slice %arg3[%dma_start3A_236, %dma_start3A_237] : memref<100000x64xf32, #tpu.memory_space<hbm>> -> memref<100000x64xf32, #tpu.memory_space<hbm>>
    tpu.enqueue_indirect_dma source(%dma_start3A_238 : memref<100000x64xf32, #tpu.memory_space<hbm>>) target(%arg15 : memref<512x64xf32, #tpu.memory_space<vmem>>) offsets(%dma_start3A_235 : memref<512xi32, #tpu.memory_space<vmem>>) semaphore(%arg18 : memref<!tpu.dma_semaphore, #tpu.memory_space<semaphore_mem>>)
    %dma_wait3A_239 = arith.constant 4096 : i32
    %dma_wait3A_240 = tpu.memref_slice %arg12[%dma_wait3A_239] : memref<10240xi32, #tpu.memory_space<vmem>> -> memref<512xi32, #tpu.memory_space<vmem>>
    %dma_wait3A_241 = arith.constant 0 : i32
    %dma_wait3A_242 = arith.constant 0 : i32
    %dma_wait3A_243 = tpu.memref_slice %arg3[%dma_wait3A_241, %dma_wait3A_242] : memref<100000x64xf32, #tpu.memory_space<hbm>> -> memref<100000x64xf32, #tpu.memory_space<hbm>>
    tpu.wait_indirect_dma semaphore(%arg17 : memref<!tpu.dma_semaphore, #tpu.memory_space<semaphore_mem>>) src(%dma_wait3A_243 : memref<100000x64xf32, #tpu.memory_space<hbm>>) dst(%arg14 : memref<512x64xf32, #tpu.memory_space<vmem>>)
    %dma_start3A_244 = arith.constant 0 : i32
    %dma_start3A_245 = tpu.memref_slice %arg9[%add3A_22, %dma_start3A_244] : memref<327680x64xf32, #tpu.memory_space<hbm>> -> memref<512x64xf32, #tpu.memory_space<hbm>>
    %dma_start3A_246 = arith.constant 0 : i32
    %dma_start3A_247 = tpu.memref_slice %arg9[%add3A_22, %dma_start3A_246] : memref<327680x64xf32, #tpu.memory_space<hbm>> -> memref<512x64xf32, #tpu.memory_space<hbm>>
    tpu.enqueue_dma source(%arg14 : memref<512x64xf32, #tpu.memory_space<vmem>>) target(%dma_start3A_247 : memref<512x64xf32, #tpu.memory_space<hbm>>) target_semaphore(%arg20 : memref<!tpu.dma_semaphore, #tpu.memory_space<semaphore_mem>>)
    %dma_wait3A_248 = arith.constant 0 : i32
    %dma_wait3A_249 = arith.constant 0 : i32
    %dma_wait3A_250 = tpu.memref_slice %arg9[%dma_wait3A_248, %dma_wait3A_249] : memref<327680x64xf32, #tpu.memory_space<hbm>> -> memref<512x64xf32, #tpu.memory_space<hbm>>
    %dma_wait3A_251 = arith.constant 0 : i32
    %dma_wait3A_252 = arith.constant 0 : i32
    %dma_wait3A_253 = tpu.memref_slice %arg9[%dma_wait3A_251, %dma_wait3A_252] : memref<327680x64xf32, #tpu.memory_space<hbm>> -> memref<512x64xf32, #tpu.memory_space<hbm>>
    tpu.wait_dma2 semaphore(%arg19 : memref<!tpu.dma_semaphore, #tpu.memory_space<semaphore_mem>>) src(%arg13 : memref<512x64xf32, #tpu.memory_space<vmem>>) dst(%dma_wait3A_253 : memref<512x64xf32, #tpu.memory_space<hbm>>)
    %dma_start3A_254 = arith.constant 5120 : i32
    %dma_start3A_255 = tpu.memref_slice %arg12[%dma_start3A_254] : memref<10240xi32, #tpu.memory_space<vmem>> -> memref<512xi32, #tpu.memory_space<vmem>>
    %dma_start3A_256 = arith.constant 0 : i32
    %dma_start3A_257 = arith.constant 0 : i32
    %dma_start3A_258 = tpu.memref_slice %arg3[%dma_start3A_256, %dma_start3A_257] : memref<100000x64xf32, #tpu.memory_space<hbm>> -> memref<100000x64xf32, #tpu.memory_space<hbm>>
    tpu.enqueue_indirect_dma source(%dma_start3A_258 : memref<100000x64xf32, #tpu.memory_space<hbm>>) target(%arg13 : memref<512x64xf32, #tpu.memory_space<vmem>>) offsets(%dma_start3A_255 : memref<512xi32, #tpu.memory_space<vmem>>) semaphore(%arg16 : memref<!tpu.dma_semaphore, #tpu.memory_space<semaphore_mem>>)
    %dma_wait3A_259 = arith.constant 4608 : i32
    %dma_wait3A_260 = tpu.memref_slice %arg12[%dma_wait3A_259] : memref<10240xi32, #tpu.memory_space<vmem>> -> memref<512xi32, #tpu.memory_space<vmem>>
    %dma_wait3A_261 = arith.constant 0 : i32
    %dma_wait3A_262 = arith.constant 0 : i32
    %dma_wait3A_263 = tpu.memref_slice %arg3[%dma_wait3A_261, %dma_wait3A_262] : memref<100000x64xf32, #tpu.memory_space<hbm>> -> memref<100000x64xf32, #tpu.memory_space<hbm>>
    tpu.wait_indirect_dma semaphore(%arg18 : memref<!tpu.dma_semaphore, #tpu.memory_space<semaphore_mem>>) src(%dma_wait3A_263 : memref<100000x64xf32, #tpu.memory_space<hbm>>) dst(%arg15 : memref<512x64xf32, #tpu.memory_space<vmem>>)
    %dma_start3A_264 = arith.constant 0 : i32
    %dma_start3A_265 = tpu.memref_slice %arg9[%add3A_24, %dma_start3A_264] : memref<327680x64xf32, #tpu.memory_space<hbm>> -> memref<512x64xf32, #tpu.memory_space<hbm>>
    %dma_start3A_266 = arith.constant 0 : i32
    %dma_start3A_267 = tpu.memref_slice %arg9[%add3A_24, %dma_start3A_266] : memref<327680x64xf32, #tpu.memory_space<hbm>> -> memref<512x64xf32, #tpu.memory_space<hbm>>
    tpu.enqueue_dma source(%arg15 : memref<512x64xf32, #tpu.memory_space<vmem>>) target(%dma_start3A_267 : memref<512x64xf32, #tpu.memory_space<hbm>>) target_semaphore(%arg21 : memref<!tpu.dma_semaphore, #tpu.memory_space<semaphore_mem>>)
    %dma_wait3A_268 = arith.constant 0 : i32
    %dma_wait3A_269 = arith.constant 0 : i32
    %dma_wait3A_270 = tpu.memref_slice %arg9[%dma_wait3A_268, %dma_wait3A_269] : memref<327680x64xf32, #tpu.memory_space<hbm>> -> memref<512x64xf32, #tpu.memory_space<hbm>>
    %dma_wait3A_271 = arith.constant 0 : i32
    %dma_wait3A_272 = arith.constant 0 : i32
    %dma_wait3A_273 = tpu.memref_slice %arg9[%dma_wait3A_271, %dma_wait3A_272] : memref<327680x64xf32, #tpu.memory_space<hbm>> -> memref<512x64xf32, #tpu.memory_space<hbm>>
    tpu.wait_dma2 semaphore(%arg20 : memref<!tpu.dma_semaphore, #tpu.memory_space<semaphore_mem>>) src(%arg14 : memref<512x64xf32, #tpu.memory_space<vmem>>) dst(%dma_wait3A_273 : memref<512x64xf32, #tpu.memory_space<hbm>>)
    %dma_start3A_274 = arith.constant 5632 : i32
    %dma_start3A_275 = tpu.memref_slice %arg12[%dma_start3A_274] : memref<10240xi32, #tpu.memory_space<vmem>> -> memref<512xi32, #tpu.memory_space<vmem>>
    %dma_start3A_276 = arith.constant 0 : i32
    %dma_start3A_277 = arith.constant 0 : i32
    %dma_start3A_278 = tpu.memref_slice %arg3[%dma_start3A_276, %dma_start3A_277] : memref<100000x64xf32, #tpu.memory_space<hbm>> -> memref<100000x64xf32, #tpu.memory_space<hbm>>
    tpu.enqueue_indirect_dma source(%dma_start3A_278 : memref<100000x64xf32, #tpu.memory_space<hbm>>) target(%arg14 : memref<512x64xf32, #tpu.memory_space<vmem>>) offsets(%dma_start3A_275 : memref<512xi32, #tpu.memory_space<vmem>>) semaphore(%arg17 : memref<!tpu.dma_semaphore, #tpu.memory_space<semaphore_mem>>)
    %dma_wait3A_279 = arith.constant 5120 : i32
    %dma_wait3A_280 = tpu.memref_slice %arg12[%dma_wait3A_279] : memref<10240xi32, #tpu.memory_space<vmem>> -> memref<512xi32, #tpu.memory_space<vmem>>
    %dma_wait3A_281 = arith.constant 0 : i32
    %dma_wait3A_282 = arith.constant 0 : i32
    %dma_wait3A_283 = tpu.memref_slice %arg3[%dma_wait3A_281, %dma_wait3A_282] : memref<100000x64xf32, #tpu.memory_space<hbm>> -> memref<100000x64xf32, #tpu.memory_space<hbm>>
    tpu.wait_indirect_dma semaphore(%arg16 : memref<!tpu.dma_semaphore, #tpu.memory_space<semaphore_mem>>) src(%dma_wait3A_283 : memref<100000x64xf32, #tpu.memory_space<hbm>>) dst(%arg13 : memref<512x64xf32, #tpu.memory_space<vmem>>)
    %dma_start3A_284 = arith.constant 0 : i32
    %dma_start3A_285 = tpu.memref_slice %arg9[%add3A_26, %dma_start3A_284] : memref<327680x64xf32, #tpu.memory_space<hbm>> -> memref<512x64xf32, #tpu.memory_space<hbm>>
    %dma_start3A_286 = arith.constant 0 : i32
    %dma_start3A_287 = tpu.memref_slice %arg9[%add3A_26, %dma_start3A_286] : memref<327680x64xf32, #tpu.memory_space<hbm>> -> memref<512x64xf32, #tpu.memory_space<hbm>>
    tpu.enqueue_dma source(%arg13 : memref<512x64xf32, #tpu.memory_space<vmem>>) target(%dma_start3A_287 : memref<512x64xf32, #tpu.memory_space<hbm>>) target_semaphore(%arg19 : memref<!tpu.dma_semaphore, #tpu.memory_space<semaphore_mem>>)
    %dma_wait3A_288 = arith.constant 0 : i32
    %dma_wait3A_289 = arith.constant 0 : i32
    %dma_wait3A_290 = tpu.memref_slice %arg9[%dma_wait3A_288, %dma_wait3A_289] : memref<327680x64xf32, #tpu.memory_space<hbm>> -> memref<512x64xf32, #tpu.memory_space<hbm>>
    %dma_wait3A_291 = arith.constant 0 : i32
    %dma_wait3A_292 = arith.constant 0 : i32
    %dma_wait3A_293 = tpu.memref_slice %arg9[%dma_wait3A_291, %dma_wait3A_292] : memref<327680x64xf32, #tpu.memory_space<hbm>> -> memref<512x64xf32, #tpu.memory_space<hbm>>
    tpu.wait_dma2 semaphore(%arg21 : memref<!tpu.dma_semaphore, #tpu.memory_space<semaphore_mem>>) src(%arg15 : memref<512x64xf32, #tpu.memory_space<vmem>>) dst(%dma_wait3A_293 : memref<512x64xf32, #tpu.memory_space<hbm>>)
    %dma_start3A_294 = arith.constant 6144 : i32
    %dma_start3A_295 = tpu.memref_slice %arg12[%dma_start3A_294] : memref<10240xi32, #tpu.memory_space<vmem>> -> memref<512xi32, #tpu.memory_space<vmem>>
    %dma_start3A_296 = arith.constant 0 : i32
    %dma_start3A_297 = arith.constant 0 : i32
    %dma_start3A_298 = tpu.memref_slice %arg3[%dma_start3A_296, %dma_start3A_297] : memref<100000x64xf32, #tpu.memory_space<hbm>> -> memref<100000x64xf32, #tpu.memory_space<hbm>>
    tpu.enqueue_indirect_dma source(%dma_start3A_298 : memref<100000x64xf32, #tpu.memory_space<hbm>>) target(%arg15 : memref<512x64xf32, #tpu.memory_space<vmem>>) offsets(%dma_start3A_295 : memref<512xi32, #tpu.memory_space<vmem>>) semaphore(%arg18 : memref<!tpu.dma_semaphore, #tpu.memory_space<semaphore_mem>>)
    %dma_wait3A_299 = arith.constant 5632 : i32
    %dma_wait3A_300 = tpu.memref_slice %arg12[%dma_wait3A_299] : memref<10240xi32, #tpu.memory_space<vmem>> -> memref<512xi32, #tpu.memory_space<vmem>>
    %dma_wait3A_301 = arith.constant 0 : i32
    %dma_wait3A_302 = arith.constant 0 : i32
    %dma_wait3A_303 = tpu.memref_slice %arg3[%dma_wait3A_301, %dma_wait3A_302] : memref<100000x64xf32, #tpu.memory_space<hbm>> -> memref<100000x64xf32, #tpu.memory_space<hbm>>
    tpu.wait_indirect_dma semaphore(%arg17 : memref<!tpu.dma_semaphore, #tpu.memory_space<semaphore_mem>>) src(%dma_wait3A_303 : memref<100000x64xf32, #tpu.memory_space<hbm>>) dst(%arg14 : memref<512x64xf32, #tpu.memory_space<vmem>>)
    %dma_start3A_304 = arith.constant 0 : i32
    %dma_start3A_305 = tpu.memref_slice %arg9[%add3A_28, %dma_start3A_304] : memref<327680x64xf32, #tpu.memory_space<hbm>> -> memref<512x64xf32, #tpu.memory_space<hbm>>
    %dma_start3A_306 = arith.constant 0 : i32
    %dma_start3A_307 = tpu.memref_slice %arg9[%add3A_28, %dma_start3A_306] : memref<327680x64xf32, #tpu.memory_space<hbm>> -> memref<512x64xf32, #tpu.memory_space<hbm>>
    tpu.enqueue_dma source(%arg14 : memref<512x64xf32, #tpu.memory_space<vmem>>) target(%dma_start3A_307 : memref<512x64xf32, #tpu.memory_space<hbm>>) target_semaphore(%arg20 : memref<!tpu.dma_semaphore, #tpu.memory_space<semaphore_mem>>)
    %dma_wait3A_308 = arith.constant 0 : i32
    %dma_wait3A_309 = arith.constant 0 : i32
    %dma_wait3A_310 = tpu.memref_slice %arg9[%dma_wait3A_308, %dma_wait3A_309] : memref<327680x64xf32, #tpu.memory_space<hbm>> -> memref<512x64xf32, #tpu.memory_space<hbm>>
    %dma_wait3A_311 = arith.constant 0 : i32
    %dma_wait3A_312 = arith.constant 0 : i32
    %dma_wait3A_313 = tpu.memref_slice %arg9[%dma_wait3A_311, %dma_wait3A_312] : memref<327680x64xf32, #tpu.memory_space<hbm>> -> memref<512x64xf32, #tpu.memory_space<hbm>>
    tpu.wait_dma2 semaphore(%arg19 : memref<!tpu.dma_semaphore, #tpu.memory_space<semaphore_mem>>) src(%arg13 : memref<512x64xf32, #tpu.memory_space<vmem>>) dst(%dma_wait3A_313 : memref<512x64xf32, #tpu.memory_space<hbm>>)
    %dma_start3A_314 = arith.constant 6656 : i32
    %dma_start3A_315 = tpu.memref_slice %arg12[%dma_start3A_314] : memref<10240xi32, #tpu.memory_space<vmem>> -> memref<512xi32, #tpu.memory_space<vmem>>
    %dma_start3A_316 = arith.constant 0 : i32
    %dma_start3A_317 = arith.constant 0 : i32
    %dma_start3A_318 = tpu.memref_slice %arg3[%dma_start3A_316, %dma_start3A_317] : memref<100000x64xf32, #tpu.memory_space<hbm>> -> memref<100000x64xf32, #tpu.memory_space<hbm>>
    tpu.enqueue_indirect_dma source(%dma_start3A_318 : memref<100000x64xf32, #tpu.memory_space<hbm>>) target(%arg13 : memref<512x64xf32, #tpu.memory_space<vmem>>) offsets(%dma_start3A_315 : memref<512xi32, #tpu.memory_space<vmem>>) semaphore(%arg16 : memref<!tpu.dma_semaphore, #tpu.memory_space<semaphore_mem>>)
    %dma_wait3A_319 = arith.constant 6144 : i32
    %dma_wait3A_320 = tpu.memref_slice %arg12[%dma_wait3A_319] : memref<10240xi32, #tpu.memory_space<vmem>> -> memref<512xi32, #tpu.memory_space<vmem>>
    %dma_wait3A_321 = arith.constant 0 : i32
    %dma_wait3A_322 = arith.constant 0 : i32
    %dma_wait3A_323 = tpu.memref_slice %arg3[%dma_wait3A_321, %dma_wait3A_322] : memref<100000x64xf32, #tpu.memory_space<hbm>> -> memref<100000x64xf32, #tpu.memory_space<hbm>>
    tpu.wait_indirect_dma semaphore(%arg18 : memref<!tpu.dma_semaphore, #tpu.memory_space<semaphore_mem>>) src(%dma_wait3A_323 : memref<100000x64xf32, #tpu.memory_space<hbm>>) dst(%arg15 : memref<512x64xf32, #tpu.memory_space<vmem>>)
    %dma_start3A_324 = arith.constant 0 : i32
    %dma_start3A_325 = tpu.memref_slice %arg9[%add3A_30, %dma_start3A_324] : memref<327680x64xf32, #tpu.memory_space<hbm>> -> memref<512x64xf32, #tpu.memory_space<hbm>>
    %dma_start3A_326 = arith.constant 0 : i32
    %dma_start3A_327 = tpu.memref_slice %arg9[%add3A_30, %dma_start3A_326] : memref<327680x64xf32, #tpu.memory_space<hbm>> -> memref<512x64xf32, #tpu.memory_space<hbm>>
    tpu.enqueue_dma source(%arg15 : memref<512x64xf32, #tpu.memory_space<vmem>>) target(%dma_start3A_327 : memref<512x64xf32, #tpu.memory_space<hbm>>) target_semaphore(%arg21 : memref<!tpu.dma_semaphore, #tpu.memory_space<semaphore_mem>>)
    %dma_wait3A_328 = arith.constant 0 : i32
    %dma_wait3A_329 = arith.constant 0 : i32
    %dma_wait3A_330 = tpu.memref_slice %arg9[%dma_wait3A_328, %dma_wait3A_329] : memref<327680x64xf32, #tpu.memory_space<hbm>> -> memref<512x64xf32, #tpu.memory_space<hbm>>
    %dma_wait3A_331 = arith.constant 0 : i32
    %dma_wait3A_332 = arith.constant 0 : i32
    %dma_wait3A_333 = tpu.memref_slice %arg9[%dma_wait3A_331, %dma_wait3A_332] : memref<327680x64xf32, #tpu.memory_space<hbm>> -> memref<512x64xf32, #tpu.memory_space<hbm>>
    tpu.wait_dma2 semaphore(%arg20 : memref<!tpu.dma_semaphore, #tpu.memory_space<semaphore_mem>>) src(%arg14 : memref<512x64xf32, #tpu.memory_space<vmem>>) dst(%dma_wait3A_333 : memref<512x64xf32, #tpu.memory_space<hbm>>)
    %dma_start3A_334 = arith.constant 7168 : i32
    %dma_start3A_335 = tpu.memref_slice %arg12[%dma_start3A_334] : memref<10240xi32, #tpu.memory_space<vmem>> -> memref<512xi32, #tpu.memory_space<vmem>>
    %dma_start3A_336 = arith.constant 0 : i32
    %dma_start3A_337 = arith.constant 0 : i32
    %dma_start3A_338 = tpu.memref_slice %arg3[%dma_start3A_336, %dma_start3A_337] : memref<100000x64xf32, #tpu.memory_space<hbm>> -> memref<100000x64xf32, #tpu.memory_space<hbm>>
    tpu.enqueue_indirect_dma source(%dma_start3A_338 : memref<100000x64xf32, #tpu.memory_space<hbm>>) target(%arg14 : memref<512x64xf32, #tpu.memory_space<vmem>>) offsets(%dma_start3A_335 : memref<512xi32, #tpu.memory_space<vmem>>) semaphore(%arg17 : memref<!tpu.dma_semaphore, #tpu.memory_space<semaphore_mem>>)
    %dma_wait3A_339 = arith.constant 6656 : i32
    %dma_wait3A_340 = tpu.memref_slice %arg12[%dma_wait3A_339] : memref<10240xi32, #tpu.memory_space<vmem>> -> memref<512xi32, #tpu.memory_space<vmem>>
    %dma_wait3A_341 = arith.constant 0 : i32
    %dma_wait3A_342 = arith.constant 0 : i32
    %dma_wait3A_343 = tpu.memref_slice %arg3[%dma_wait3A_341, %dma_wait3A_342] : memref<100000x64xf32, #tpu.memory_space<hbm>> -> memref<100000x64xf32, #tpu.memory_space<hbm>>
    tpu.wait_indirect_dma semaphore(%arg16 : memref<!tpu.dma_semaphore, #tpu.memory_space<semaphore_mem>>) src(%dma_wait3A_343 : memref<100000x64xf32, #tpu.memory_space<hbm>>) dst(%arg13 : memref<512x64xf32, #tpu.memory_space<vmem>>)
    %dma_start3A_344 = arith.constant 0 : i32
    %dma_start3A_345 = tpu.memref_slice %arg9[%add3A_32, %dma_start3A_344] : memref<327680x64xf32, #tpu.memory_space<hbm>> -> memref<512x64xf32, #tpu.memory_space<hbm>>
    %dma_start3A_346 = arith.constant 0 : i32
    %dma_start3A_347 = tpu.memref_slice %arg9[%add3A_32, %dma_start3A_346] : memref<327680x64xf32, #tpu.memory_space<hbm>> -> memref<512x64xf32, #tpu.memory_space<hbm>>
    tpu.enqueue_dma source(%arg13 : memref<512x64xf32, #tpu.memory_space<vmem>>) target(%dma_start3A_347 : memref<512x64xf32, #tpu.memory_space<hbm>>) target_semaphore(%arg19 : memref<!tpu.dma_semaphore, #tpu.memory_space<semaphore_mem>>)
    %dma_wait3A_348 = arith.constant 0 : i32
    %dma_wait3A_349 = arith.constant 0 : i32
    %dma_wait3A_350 = tpu.memref_slice %arg9[%dma_wait3A_348, %dma_wait3A_349] : memref<327680x64xf32, #tpu.memory_space<hbm>> -> memref<512x64xf32, #tpu.memory_space<hbm>>
    %dma_wait3A_351 = arith.constant 0 : i32
    %dma_wait3A_352 = arith.constant 0 : i32
    %dma_wait3A_353 = tpu.memref_slice %arg9[%dma_wait3A_351, %dma_wait3A_352] : memref<327680x64xf32, #tpu.memory_space<hbm>> -> memref<512x64xf32, #tpu.memory_space<hbm>>
    tpu.wait_dma2 semaphore(%arg21 : memref<!tpu.dma_semaphore, #tpu.memory_space<semaphore_mem>>) src(%arg15 : memref<512x64xf32, #tpu.memory_space<vmem>>) dst(%dma_wait3A_353 : memref<512x64xf32, #tpu.memory_space<hbm>>)
    %dma_start3A_354 = arith.constant 7680 : i32
    %dma_start3A_355 = tpu.memref_slice %arg12[%dma_start3A_354] : memref<10240xi32, #tpu.memory_space<vmem>> -> memref<512xi32, #tpu.memory_space<vmem>>
    %dma_start3A_356 = arith.constant 0 : i32
    %dma_start3A_357 = arith.constant 0 : i32
    %dma_start3A_358 = tpu.memref_slice %arg3[%dma_start3A_356, %dma_start3A_357] : memref<100000x64xf32, #tpu.memory_space<hbm>> -> memref<100000x64xf32, #tpu.memory_space<hbm>>
    tpu.enqueue_indirect_dma source(%dma_start3A_358 : memref<100000x64xf32, #tpu.memory_space<hbm>>) target(%arg15 : memref<512x64xf32, #tpu.memory_space<vmem>>) offsets(%dma_start3A_355 : memref<512xi32, #tpu.memory_space<vmem>>) semaphore(%arg18 : memref<!tpu.dma_semaphore, #tpu.memory_space<semaphore_mem>>)
    %dma_wait3A_359 = arith.constant 7168 : i32
    %dma_wait3A_360 = tpu.memref_slice %arg12[%dma_wait3A_359] : memref<10240xi32, #tpu.memory_space<vmem>> -> memref<512xi32, #tpu.memory_space<vmem>>
    %dma_wait3A_361 = arith.constant 0 : i32
    %dma_wait3A_362 = arith.constant 0 : i32
    %dma_wait3A_363 = tpu.memref_slice %arg3[%dma_wait3A_361, %dma_wait3A_362] : memref<100000x64xf32, #tpu.memory_space<hbm>> -> memref<100000x64xf32, #tpu.memory_space<hbm>>
    tpu.wait_indirect_dma semaphore(%arg17 : memref<!tpu.dma_semaphore, #tpu.memory_space<semaphore_mem>>) src(%dma_wait3A_363 : memref<100000x64xf32, #tpu.memory_space<hbm>>) dst(%arg14 : memref<512x64xf32, #tpu.memory_space<vmem>>)
    %dma_start3A_364 = arith.constant 0 : i32
    %dma_start3A_365 = tpu.memref_slice %arg9[%add3A_34, %dma_start3A_364] : memref<327680x64xf32, #tpu.memory_space<hbm>> -> memref<512x64xf32, #tpu.memory_space<hbm>>
    %dma_start3A_366 = arith.constant 0 : i32
    %dma_start3A_367 = tpu.memref_slice %arg9[%add3A_34, %dma_start3A_366] : memref<327680x64xf32, #tpu.memory_space<hbm>> -> memref<512x64xf32, #tpu.memory_space<hbm>>
    tpu.enqueue_dma source(%arg14 : memref<512x64xf32, #tpu.memory_space<vmem>>) target(%dma_start3A_367 : memref<512x64xf32, #tpu.memory_space<hbm>>) target_semaphore(%arg20 : memref<!tpu.dma_semaphore, #tpu.memory_space<semaphore_mem>>)
    %dma_wait3A_368 = arith.constant 0 : i32
    %dma_wait3A_369 = arith.constant 0 : i32
    %dma_wait3A_370 = tpu.memref_slice %arg9[%dma_wait3A_368, %dma_wait3A_369] : memref<327680x64xf32, #tpu.memory_space<hbm>> -> memref<512x64xf32, #tpu.memory_space<hbm>>
    %dma_wait3A_371 = arith.constant 0 : i32
    %dma_wait3A_372 = arith.constant 0 : i32
    %dma_wait3A_373 = tpu.memref_slice %arg9[%dma_wait3A_371, %dma_wait3A_372] : memref<327680x64xf32, #tpu.memory_space<hbm>> -> memref<512x64xf32, #tpu.memory_space<hbm>>
    tpu.wait_dma2 semaphore(%arg19 : memref<!tpu.dma_semaphore, #tpu.memory_space<semaphore_mem>>) src(%arg13 : memref<512x64xf32, #tpu.memory_space<vmem>>) dst(%dma_wait3A_373 : memref<512x64xf32, #tpu.memory_space<hbm>>)
    %dma_start3A_374 = arith.constant 8192 : i32
    %dma_start3A_375 = tpu.memref_slice %arg12[%dma_start3A_374] : memref<10240xi32, #tpu.memory_space<vmem>> -> memref<512xi32, #tpu.memory_space<vmem>>
    %dma_start3A_376 = arith.constant 0 : i32
    %dma_start3A_377 = arith.constant 0 : i32
    %dma_start3A_378 = tpu.memref_slice %arg3[%dma_start3A_376, %dma_start3A_377] : memref<100000x64xf32, #tpu.memory_space<hbm>> -> memref<100000x64xf32, #tpu.memory_space<hbm>>
    tpu.enqueue_indirect_dma source(%dma_start3A_378 : memref<100000x64xf32, #tpu.memory_space<hbm>>) target(%arg13 : memref<512x64xf32, #tpu.memory_space<vmem>>) offsets(%dma_start3A_375 : memref<512xi32, #tpu.memory_space<vmem>>) semaphore(%arg16 : memref<!tpu.dma_semaphore, #tpu.memory_space<semaphore_mem>>)
    %dma_wait3A_379 = arith.constant 7680 : i32
    %dma_wait3A_380 = tpu.memref_slice %arg12[%dma_wait3A_379] : memref<10240xi32, #tpu.memory_space<vmem>> -> memref<512xi32, #tpu.memory_space<vmem>>
    %dma_wait3A_381 = arith.constant 0 : i32
    %dma_wait3A_382 = arith.constant 0 : i32
    %dma_wait3A_383 = tpu.memref_slice %arg3[%dma_wait3A_381, %dma_wait3A_382] : memref<100000x64xf32, #tpu.memory_space<hbm>> -> memref<100000x64xf32, #tpu.memory_space<hbm>>
    tpu.wait_indirect_dma semaphore(%arg18 : memref<!tpu.dma_semaphore, #tpu.memory_space<semaphore_mem>>) src(%dma_wait3A_383 : memref<100000x64xf32, #tpu.memory_space<hbm>>) dst(%arg15 : memref<512x64xf32, #tpu.memory_space<vmem>>)
    %dma_start3A_384 = arith.constant 0 : i32
    %dma_start3A_385 = tpu.memref_slice %arg9[%add3A_36, %dma_start3A_384] : memref<327680x64xf32, #tpu.memory_space<hbm>> -> memref<512x64xf32, #tpu.memory_space<hbm>>
    %dma_start3A_386 = arith.constant 0 : i32
    %dma_start3A_387 = tpu.memref_slice %arg9[%add3A_36, %dma_start3A_386] : memref<327680x64xf32, #tpu.memory_space<hbm>> -> memref<512x64xf32, #tpu.memory_space<hbm>>
    tpu.enqueue_dma source(%arg15 : memref<512x64xf32, #tpu.memory_space<vmem>>) target(%dma_start3A_387 : memref<512x64xf32, #tpu.memory_space<hbm>>) target_semaphore(%arg21 : memref<!tpu.dma_semaphore, #tpu.memory_space<semaphore_mem>>)
    %dma_wait3A_388 = arith.constant 0 : i32
    %dma_wait3A_389 = arith.constant 0 : i32
    %dma_wait3A_390 = tpu.memref_slice %arg9[%dma_wait3A_388, %dma_wait3A_389] : memref<327680x64xf32, #tpu.memory_space<hbm>> -> memref<512x64xf32, #tpu.memory_space<hbm>>
    %dma_wait3A_391 = arith.constant 0 : i32
    %dma_wait3A_392 = arith.constant 0 : i32
    %dma_wait3A_393 = tpu.memref_slice %arg9[%dma_wait3A_391, %dma_wait3A_392] : memref<327680x64xf32, #tpu.memory_space<hbm>> -> memref<512x64xf32, #tpu.memory_space<hbm>>
    tpu.wait_dma2 semaphore(%arg20 : memref<!tpu.dma_semaphore, #tpu.memory_space<semaphore_mem>>) src(%arg14 : memref<512x64xf32, #tpu.memory_space<vmem>>) dst(%dma_wait3A_393 : memref<512x64xf32, #tpu.memory_space<hbm>>)
    %dma_start3A_394 = arith.constant 8704 : i32
    %dma_start3A_395 = tpu.memref_slice %arg12[%dma_start3A_394] : memref<10240xi32, #tpu.memory_space<vmem>> -> memref<512xi32, #tpu.memory_space<vmem>>
    %dma_start3A_396 = arith.constant 0 : i32
    %dma_start3A_397 = arith.constant 0 : i32
    %dma_start3A_398 = tpu.memref_slice %arg3[%dma_start3A_396, %dma_start3A_397] : memref<100000x64xf32, #tpu.memory_space<hbm>> -> memref<100000x64xf32, #tpu.memory_space<hbm>>
    tpu.enqueue_indirect_dma source(%dma_start3A_398 : memref<100000x64xf32, #tpu.memory_space<hbm>>) target(%arg14 : memref<512x64xf32, #tpu.memory_space<vmem>>) offsets(%dma_start3A_395 : memref<512xi32, #tpu.memory_space<vmem>>) semaphore(%arg17 : memref<!tpu.dma_semaphore, #tpu.memory_space<semaphore_mem>>)
    %dma_wait3A_399 = arith.constant 8192 : i32
    %dma_wait3A_400 = tpu.memref_slice %arg12[%dma_wait3A_399] : memref<10240xi32, #tpu.memory_space<vmem>> -> memref<512xi32, #tpu.memory_space<vmem>>
    %dma_wait3A_401 = arith.constant 0 : i32
    %dma_wait3A_402 = arith.constant 0 : i32
    %dma_wait3A_403 = tpu.memref_slice %arg3[%dma_wait3A_401, %dma_wait3A_402] : memref<100000x64xf32, #tpu.memory_space<hbm>> -> memref<100000x64xf32, #tpu.memory_space<hbm>>
    tpu.wait_indirect_dma semaphore(%arg16 : memref<!tpu.dma_semaphore, #tpu.memory_space<semaphore_mem>>) src(%dma_wait3A_403 : memref<100000x64xf32, #tpu.memory_space<hbm>>) dst(%arg13 : memref<512x64xf32, #tpu.memory_space<vmem>>)
    %dma_start3A_404 = arith.constant 0 : i32
    %dma_start3A_405 = tpu.memref_slice %arg9[%add3A_38, %dma_start3A_404] : memref<327680x64xf32, #tpu.memory_space<hbm>> -> memref<512x64xf32, #tpu.memory_space<hbm>>
    %dma_start3A_406 = arith.constant 0 : i32
    %dma_start3A_407 = tpu.memref_slice %arg9[%add3A_38, %dma_start3A_406] : memref<327680x64xf32, #tpu.memory_space<hbm>> -> memref<512x64xf32, #tpu.memory_space<hbm>>
    tpu.enqueue_dma source(%arg13 : memref<512x64xf32, #tpu.memory_space<vmem>>) target(%dma_start3A_407 : memref<512x64xf32, #tpu.memory_space<hbm>>) target_semaphore(%arg19 : memref<!tpu.dma_semaphore, #tpu.memory_space<semaphore_mem>>)
    %dma_wait3A_408 = arith.constant 0 : i32
    %dma_wait3A_409 = arith.constant 0 : i32
    %dma_wait3A_410 = tpu.memref_slice %arg9[%dma_wait3A_408, %dma_wait3A_409] : memref<327680x64xf32, #tpu.memory_space<hbm>> -> memref<512x64xf32, #tpu.memory_space<hbm>>
    %dma_wait3A_411 = arith.constant 0 : i32
    %dma_wait3A_412 = arith.constant 0 : i32
    %dma_wait3A_413 = tpu.memref_slice %arg9[%dma_wait3A_411, %dma_wait3A_412] : memref<327680x64xf32, #tpu.memory_space<hbm>> -> memref<512x64xf32, #tpu.memory_space<hbm>>
    tpu.wait_dma2 semaphore(%arg21 : memref<!tpu.dma_semaphore, #tpu.memory_space<semaphore_mem>>) src(%arg15 : memref<512x64xf32, #tpu.memory_space<vmem>>) dst(%dma_wait3A_413 : memref<512x64xf32, #tpu.memory_space<hbm>>)
    %dma_start3A_414 = arith.constant 9216 : i32
    %dma_start3A_415 = tpu.memref_slice %arg12[%dma_start3A_414] : memref<10240xi32, #tpu.memory_space<vmem>> -> memref<512xi32, #tpu.memory_space<vmem>>
    %dma_start3A_416 = arith.constant 0 : i32
    %dma_start3A_417 = arith.constant 0 : i32
    %dma_start3A_418 = tpu.memref_slice %arg3[%dma_start3A_416, %dma_start3A_417] : memref<100000x64xf32, #tpu.memory_space<hbm>> -> memref<100000x64xf32, #tpu.memory_space<hbm>>
    tpu.enqueue_indirect_dma source(%dma_start3A_418 : memref<100000x64xf32, #tpu.memory_space<hbm>>) target(%arg15 : memref<512x64xf32, #tpu.memory_space<vmem>>) offsets(%dma_start3A_415 : memref<512xi32, #tpu.memory_space<vmem>>) semaphore(%arg18 : memref<!tpu.dma_semaphore, #tpu.memory_space<semaphore_mem>>)
    %dma_wait3A_419 = arith.constant 8704 : i32
    %dma_wait3A_420 = tpu.memref_slice %arg12[%dma_wait3A_419] : memref<10240xi32, #tpu.memory_space<vmem>> -> memref<512xi32, #tpu.memory_space<vmem>>
    %dma_wait3A_421 = arith.constant 0 : i32
    %dma_wait3A_422 = arith.constant 0 : i32
    %dma_wait3A_423 = tpu.memref_slice %arg3[%dma_wait3A_421, %dma_wait3A_422] : memref<100000x64xf32, #tpu.memory_space<hbm>> -> memref<100000x64xf32, #tpu.memory_space<hbm>>
    tpu.wait_indirect_dma semaphore(%arg17 : memref<!tpu.dma_semaphore, #tpu.memory_space<semaphore_mem>>) src(%dma_wait3A_423 : memref<100000x64xf32, #tpu.memory_space<hbm>>) dst(%arg14 : memref<512x64xf32, #tpu.memory_space<vmem>>)
    %dma_start3A_424 = arith.constant 0 : i32
    %dma_start3A_425 = tpu.memref_slice %arg9[%add3A_40, %dma_start3A_424] : memref<327680x64xf32, #tpu.memory_space<hbm>> -> memref<512x64xf32, #tpu.memory_space<hbm>>
    %dma_start3A_426 = arith.constant 0 : i32
    %dma_start3A_427 = tpu.memref_slice %arg9[%add3A_40, %dma_start3A_426] : memref<327680x64xf32, #tpu.memory_space<hbm>> -> memref<512x64xf32, #tpu.memory_space<hbm>>
    tpu.enqueue_dma source(%arg14 : memref<512x64xf32, #tpu.memory_space<vmem>>) target(%dma_start3A_427 : memref<512x64xf32, #tpu.memory_space<hbm>>) target_semaphore(%arg20 : memref<!tpu.dma_semaphore, #tpu.memory_space<semaphore_mem>>)
    %dma_wait3A_428 = arith.constant 0 : i32
    %dma_wait3A_429 = arith.constant 0 : i32
    %dma_wait3A_430 = tpu.memref_slice %arg9[%dma_wait3A_428, %dma_wait3A_429] : memref<327680x64xf32, #tpu.memory_space<hbm>> -> memref<512x64xf32, #tpu.memory_space<hbm>>
    %dma_wait3A_431 = arith.constant 0 : i32
    %dma_wait3A_432 = arith.constant 0 : i32
    %dma_wait3A_433 = tpu.memref_slice %arg9[%dma_wait3A_431, %dma_wait3A_432] : memref<327680x64xf32, #tpu.memory_space<hbm>> -> memref<512x64xf32, #tpu.memory_space<hbm>>
    tpu.wait_dma2 semaphore(%arg19 : memref<!tpu.dma_semaphore, #tpu.memory_space<semaphore_mem>>) src(%arg13 : memref<512x64xf32, #tpu.memory_space<vmem>>) dst(%dma_wait3A_433 : memref<512x64xf32, #tpu.memory_space<hbm>>)
    %dma_start3A_434 = arith.constant 9728 : i32
    %dma_start3A_435 = tpu.memref_slice %arg12[%dma_start3A_434] : memref<10240xi32, #tpu.memory_space<vmem>> -> memref<512xi32, #tpu.memory_space<vmem>>
    %dma_start3A_436 = arith.constant 0 : i32
    %dma_start3A_437 = arith.constant 0 : i32
    %dma_start3A_438 = tpu.memref_slice %arg3[%dma_start3A_436, %dma_start3A_437] : memref<100000x64xf32, #tpu.memory_space<hbm>> -> memref<100000x64xf32, #tpu.memory_space<hbm>>
    tpu.enqueue_indirect_dma source(%dma_start3A_438 : memref<100000x64xf32, #tpu.memory_space<hbm>>) target(%arg13 : memref<512x64xf32, #tpu.memory_space<vmem>>) offsets(%dma_start3A_435 : memref<512xi32, #tpu.memory_space<vmem>>) semaphore(%arg16 : memref<!tpu.dma_semaphore, #tpu.memory_space<semaphore_mem>>)
    %dma_wait3A_439 = arith.constant 9216 : i32
    %dma_wait3A_440 = tpu.memref_slice %arg12[%dma_wait3A_439] : memref<10240xi32, #tpu.memory_space<vmem>> -> memref<512xi32, #tpu.memory_space<vmem>>
    %dma_wait3A_441 = arith.constant 0 : i32
    %dma_wait3A_442 = arith.constant 0 : i32
    %dma_wait3A_443 = tpu.memref_slice %arg3[%dma_wait3A_441, %dma_wait3A_442] : memref<100000x64xf32, #tpu.memory_space<hbm>> -> memref<100000x64xf32, #tpu.memory_space<hbm>>
    tpu.wait_indirect_dma semaphore(%arg18 : memref<!tpu.dma_semaphore, #tpu.memory_space<semaphore_mem>>) src(%dma_wait3A_443 : memref<100000x64xf32, #tpu.memory_space<hbm>>) dst(%arg15 : memref<512x64xf32, #tpu.memory_space<vmem>>)
    %dma_start3A_444 = arith.constant 0 : i32
    %dma_start3A_445 = tpu.memref_slice %arg9[%add3A_42, %dma_start3A_444] : memref<327680x64xf32, #tpu.memory_space<hbm>> -> memref<512x64xf32, #tpu.memory_space<hbm>>
    %dma_start3A_446 = arith.constant 0 : i32
    %dma_start3A_447 = tpu.memref_slice %arg9[%add3A_42, %dma_start3A_446] : memref<327680x64xf32, #tpu.memory_space<hbm>> -> memref<512x64xf32, #tpu.memory_space<hbm>>
    tpu.enqueue_dma source(%arg15 : memref<512x64xf32, #tpu.memory_space<vmem>>) target(%dma_start3A_447 : memref<512x64xf32, #tpu.memory_space<hbm>>) target_semaphore(%arg21 : memref<!tpu.dma_semaphore, #tpu.memory_space<semaphore_mem>>)
    %dma_wait3A_448 = arith.constant 9728 : i32
    %dma_wait3A_449 = tpu.memref_slice %arg12[%dma_wait3A_448] : memref<10240xi32, #tpu.memory_space<vmem>> -> memref<512xi32, #tpu.memory_space<vmem>>
    %dma_wait3A_450 = arith.constant 0 : i32
    %dma_wait3A_451 = arith.constant 0 : i32
    %dma_wait3A_452 = tpu.memref_slice %arg3[%dma_wait3A_450, %dma_wait3A_451] : memref<100000x64xf32, #tpu.memory_space<hbm>> -> memref<100000x64xf32, #tpu.memory_space<hbm>>
    tpu.wait_indirect_dma semaphore(%arg16 : memref<!tpu.dma_semaphore, #tpu.memory_space<semaphore_mem>>) src(%dma_wait3A_452 : memref<100000x64xf32, #tpu.memory_space<hbm>>) dst(%arg13 : memref<512x64xf32, #tpu.memory_space<vmem>>)
    %dma_start3A_453 = arith.constant 0 : i32
    %dma_start3A_454 = tpu.memref_slice %arg9[%add3A_44, %dma_start3A_453] : memref<327680x64xf32, #tpu.memory_space<hbm>> -> memref<512x64xf32, #tpu.memory_space<hbm>>
    %dma_start3A_455 = arith.constant 0 : i32
    %dma_start3A_456 = tpu.memref_slice %arg9[%add3A_44, %dma_start3A_455] : memref<327680x64xf32, #tpu.memory_space<hbm>> -> memref<512x64xf32, #tpu.memory_space<hbm>>
    tpu.enqueue_dma source(%arg13 : memref<512x64xf32, #tpu.memory_space<vmem>>) target(%dma_start3A_456 : memref<512x64xf32, #tpu.memory_space<hbm>>) target_semaphore(%arg19 : memref<!tpu.dma_semaphore, #tpu.memory_space<semaphore_mem>>)
    %dma_wait3A_457 = arith.constant 0 : i32
    %dma_wait3A_458 = arith.constant 0 : i32
    %dma_wait3A_459 = tpu.memref_slice %arg9[%dma_wait3A_457, %dma_wait3A_458] : memref<327680x64xf32, #tpu.memory_space<hbm>> -> memref<512x64xf32, #tpu.memory_space<hbm>>
    %dma_wait3A_460 = arith.constant 0 : i32
    %dma_wait3A_461 = arith.constant 0 : i32
    %dma_wait3A_462 = tpu.memref_slice %arg9[%dma_wait3A_460, %dma_wait3A_461] : memref<327680x64xf32, #tpu.memory_space<hbm>> -> memref<512x64xf32, #tpu.memory_space<hbm>>
    tpu.wait_dma2 semaphore(%arg19 : memref<!tpu.dma_semaphore, #tpu.memory_space<semaphore_mem>>) src(%arg13 : memref<512x64xf32, #tpu.memory_space<vmem>>) dst(%dma_wait3A_462 : memref<512x64xf32, #tpu.memory_space<hbm>>)
    %dma_wait3A_463 = arith.constant 0 : i32
    %dma_wait3A_464 = arith.constant 0 : i32
    %dma_wait3A_465 = tpu.memref_slice %arg9[%dma_wait3A_463, %dma_wait3A_464] : memref<327680x64xf32, #tpu.memory_space<hbm>> -> memref<512x64xf32, #tpu.memory_space<hbm>>
    %dma_wait3A_466 = arith.constant 0 : i32
    %dma_wait3A_467 = arith.constant 0 : i32
    %dma_wait3A_468 = tpu.memref_slice %arg9[%dma_wait3A_466, %dma_wait3A_467] : memref<327680x64xf32, #tpu.memory_space<hbm>> -> memref<512x64xf32, #tpu.memory_space<hbm>>
    tpu.wait_dma2 semaphore(%arg20 : memref<!tpu.dma_semaphore, #tpu.memory_space<semaphore_mem>>) src(%arg14 : memref<512x64xf32, #tpu.memory_space<vmem>>) dst(%dma_wait3A_468 : memref<512x64xf32, #tpu.memory_space<hbm>>)
    %dma_wait3A_469 = arith.constant 0 : i32
    %dma_wait3A_470 = arith.constant 0 : i32
    %dma_wait3A_471 = tpu.memref_slice %arg9[%dma_wait3A_469, %dma_wait3A_470] : memref<327680x64xf32, #tpu.memory_space<hbm>> -> memref<512x64xf32, #tpu.memory_space<hbm>>
    %dma_wait3A_472 = arith.constant 0 : i32
    %dma_wait3A_473 = arith.constant 0 : i32
    %dma_wait3A_474 = tpu.memref_slice %arg9[%dma_wait3A_472, %dma_wait3A_473] : memref<327680x64xf32, #tpu.memory_space<hbm>> -> memref<512x64xf32, #tpu.memory_space<hbm>>
    tpu.wait_dma2 semaphore(%arg21 : memref<!tpu.dma_semaphore, #tpu.memory_space<semaphore_mem>>) src(%arg15 : memref<512x64xf32, #tpu.memory_space<vmem>>) dst(%dma_wait3A_474 : memref<512x64xf32, #tpu.memory_space<hbm>>)
    return
  }
}

module attributes {stable_mosaic.version = 14 : i64} {
  func.func @_tc_body(%arg0: i32, %arg1: i32, %arg2: memref<1024x128xf32, #tpu.memory_space<vmem>>, %arg3: memref<1024x128xf32, #tpu.memory_space<vmem>>, %arg4: memref<1024x128xf32, #tpu.memory_space<vmem>>, %arg5: memref<1x1x1xf32, #tpu.memory_space<vmem>>, %arg6: memref<1x1x1xf32, #tpu.memory_space<vmem>>, %arg7: memref<1024x2xf32, #tpu.memory_space<vmem>>, %arg8: memref<1024x2xf32, #tpu.memory_space<vmem>>) attributes {dimension_semantics = [#tpu.dimension_semantics<parallel>, #tpu.dimension_semantics<arbitrary>], iteration_bounds = array<i64: 8, 20>, scalar_prefetch = 0 : i64, scratch_operands = 2 : i64, tpu.core_type = #tpu.core_type<tc>, window_params = [{transform_indices = @transform_0, window_bounds = array<i64: 1024, 128>}, {transform_indices = @transform_1, window_bounds = array<i64: 1024, 128>}, {transform_indices = @transform_2, window_bounds = array<i64: 1024, 128>}, {transform_indices = @transform_3, window_bounds = array<i64: 1, 1, 1>}, {transform_indices = @transform_4, window_bounds = array<i64: 1, 1, 1>}]} {
    %iota3A = tpu.iota {dimensions = array<i32: 0>} : vector<128x2xi32>
    %iota3A_0 = tpu.iota {dimensions = array<i32: 1>} : vector<128x2xi32>
    %lt3A = arith.constant 64 : i32
    %lt3A_1 = vector.broadcast %lt3A : i32 to vector<128x2xi32>
    %lt3A_2 = arith.cmpi slt, %iota3A, %lt3A_1 : vector<128x2xi32>
    %eq3A = arith.constant 0 : i32
    %eq3A_3 = vector.broadcast %eq3A : i32 to vector<128x2xi32>
    %eq3A_4 = arith.cmpi eq, %iota3A_0, %eq3A_3 : vector<128x2xi32>
    %eq3A_5 = arith.xori %lt3A_2, %eq3A_4 : vector<128x2xi1>
    %eq3A_6 = arith.constant dense<true> : vector<128x2xi1>
    %eq3A_7 = arith.xori %eq3A_5, %eq3A_6 : vector<128x2xi1>
    %convert_element_type3A = arith.extui %eq3A_7 : vector<128x2xi1> to vector<128x2xi32>
    %convert_element_type3A_8 = arith.sitofp %convert_element_type3A : vector<128x2xi32> to vector<128x2xf32>
    %get3A = arith.constant 0 : index
    %get3A_9 = arith.constant 0 : index
    %get3A_10 = vector.load %arg2[%get3A, %get3A_9] : memref<1024x128xf32, #tpu.memory_space<vmem>>, vector<1024x128xf32>
    %eq3A_11 = arith.constant 0 : i32
    %eq3A_12 = arith.cmpi eq, %arg1, %eq3A_11 : i32
    %convert_element_type3A_13 = arith.extui %eq3A_12 : i1 to i32
    %cond3A = arith.constant 0 : i32
    %cond3A_14 = arith.cmpi ne, %convert_element_type3A_13, %cond3A : i32
    scf.if %cond3A_14 {
      %mul3A_63 = arith.mulf %get3A_10, %get3A_10 : vector<1024x128xf32>
      %dot_general3A_64 = arith.constant dense<0.000000e+00> : vector<1024x2xf32>
      %dot_general3A_65 = tpu.matmul %mul3A_63, %convert_element_type3A_8, %dot_general3A_64 {dimension_numbers = #tpu.dot_dimension_numbers<[1], [0], [0], [1], [0, 0, 1, 1], [], []>, transpose_lhs_hint = false} : vector<1024x128xf32>, vector<128x2xf32>, vector<1024x2xf32> -> vector<1024x2xf32>
      %max3A_66 = arith.constant 1.000000e-24 : f32
      %max3A_67 = vector.broadcast %max3A_66 : f32 to vector<1024x2xf32>
      %max3A_68 = arith.maximumf %dot_general3A_65, %max3A_67 : vector<1024x2xf32>
      %rsqrt3A_69 = math.rsqrt %max3A_68 : vector<1024x2xf32>
      %swap3A_70 = arith.constant 0 : index
      %swap3A_71 = arith.constant 0 : index
      %swap3A_72 = vector.load %arg7[%swap3A_70, %swap3A_71] : memref<1024x2xf32, #tpu.memory_space<vmem>>, vector<1024x2xf32>
      tpu.vector_store %arg7[%swap3A_70, %swap3A_71], %rsqrt3A_69 {strides = array<i32>} : memref<1024x2xf32, #tpu.memory_space<vmem>>, vector<1024x2xf32>,
      %get3A_73 = arith.constant 0 : index
      %get3A_74 = arith.constant 0 : index
      %get3A_75 = vector.load %arg3[%get3A_73, %get3A_74] : memref<1024x128xf32, #tpu.memory_space<vmem>>, vector<1024x128xf32>
      %mul3A_76 = arith.mulf %get3A_75, %get3A_10 : vector<1024x128xf32>
      %dot_general3A_77 = arith.constant dense<0.000000e+00> : vector<1024x2xf32>
      %dot_general3A_78 = tpu.matmul %mul3A_76, %convert_element_type3A_8, %dot_general3A_77 {dimension_numbers = #tpu.dot_dimension_numbers<[1], [0], [0], [1], [0, 0, 1, 1], [], []>, transpose_lhs_hint = false} : vector<1024x128xf32>, vector<128x2xf32>, vector<1024x2xf32> -> vector<1024x2xf32>
      %mul3A_79 = arith.mulf %dot_general3A_78, %rsqrt3A_69 : vector<1024x2xf32>
      %mul3A_80 = arith.mulf %get3A_75, %get3A_75 : vector<1024x128xf32>
      %dot_general3A_81 = arith.constant dense<0.000000e+00> : vector<1024x2xf32>
      %dot_general3A_82 = tpu.matmul %mul3A_80, %convert_element_type3A_8, %dot_general3A_81 {dimension_numbers = #tpu.dot_dimension_numbers<[1], [0], [0], [1], [0, 0, 1, 1], [], []>, transpose_lhs_hint = false} : vector<1024x128xf32>, vector<128x2xf32>, vector<1024x2xf32> -> vector<1024x2xf32>
      %max3A_83 = arith.constant 1.000000e-24 : f32
      %max3A_84 = vector.broadcast %max3A_83 : f32 to vector<1024x2xf32>
      %max3A_85 = arith.maximumf %dot_general3A_82, %max3A_84 : vector<1024x2xf32>
      %rsqrt3A_86 = math.rsqrt %max3A_85 : vector<1024x2xf32>
      %mul3A_87 = arith.mulf %mul3A_79, %rsqrt3A_86 : vector<1024x2xf32>
      %mul3A_88 = arith.mulf %mul3A_87, %mul3A_87 : vector<1024x2xf32>
      %mul3A_89 = arith.constant 3.47222231E-4 : f32
      %mul3A_90 = vector.broadcast %mul3A_89 : f32 to vector<1024x2xf32>
      %mul3A_91 = arith.mulf %mul3A_88, %mul3A_90 : vector<1024x2xf32>
      %add3A_92 = arith.constant -0.00520833349 : f32
      %add3A_93 = vector.broadcast %add3A_92 : f32 to vector<1024x2xf32>
      %add3A_94 = arith.addf %add3A_93, %mul3A_91 : vector<1024x2xf32>
      %mul3A_95 = arith.mulf %mul3A_88, %add3A_94 : vector<1024x2xf32>
      %add3A_96 = arith.constant 1.250000e-01 : f32
      %add3A_97 = vector.broadcast %add3A_96 : f32 to vector<1024x2xf32>
      %add3A_98 = arith.addf %add3A_97, %mul3A_95 : vector<1024x2xf32>
      %mul3A_99 = arith.mulf %mul3A_88, %add3A_98 : vector<1024x2xf32>
      %add3A_100 = arith.constant 0.693147182 : f32
      %add3A_101 = vector.broadcast %add3A_100 : f32 to vector<1024x2xf32>
      %add3A_102 = arith.addf %add3A_101, %mul3A_99 : vector<1024x2xf32>
      %mul3A_103 = arith.constant -5.000000e-01 : f32
      %mul3A_104 = vector.broadcast %mul3A_103 : f32 to vector<1024x2xf32>
      %mul3A_105 = arith.mulf %mul3A_104, %mul3A_87 : vector<1024x2xf32>
      %add3A_106 = arith.addf %add3A_102, %mul3A_105 : vector<1024x2xf32>
      %reduce_sum3A = vector.shape_cast %add3A_106 : vector<1024x2xf32> to vector<1x1024x2xf32>
      %reduce_sum3A_107 = arith.constant dense<0.000000e+00> : vector<1xf32>
      %reduce_sum3A_108 = vector.multi_reduction <add>, %reduce_sum3A, %reduce_sum3A_107 [1, 2] : vector<1x1024x2xf32> to vector<1xf32>
      %reduce_sum3A_109 = vector.shape_cast %reduce_sum3A_108 : vector<1xf32> to vector<1x1x1xf32>
      %reduce_sum3A_110 = vector.extract %reduce_sum3A_109[0, 0, 0] : f32 from vector<1x1x1xf32>
      %reshape3A = vector.broadcast %reduce_sum3A_110 : f32 to vector<1x1x1xf32>
      %swap3A_111 = arith.constant 0 : index
      %swap3A_112 = arith.constant 0 : index
      %swap3A_113 = arith.constant 0 : index
      %swap3A_114 = vector.load %arg5[%swap3A_111, %swap3A_112, %swap3A_113] : memref<1x1x1xf32, #tpu.memory_space<vmem>>, vector<1x1x1xf32>
      tpu.vector_store %arg5[%swap3A_111, %swap3A_112, %swap3A_113], %reshape3A {strides = array<i32>} : memref<1x1x1xf32, #tpu.memory_space<vmem>>, vector<1x1x1xf32>,
    } else {
    }
    %get3A_15 = arith.constant 0 : index
    %get3A_16 = arith.constant 0 : index
    %get3A_17 = vector.load %arg4[%get3A_15, %get3A_16] : memref<1024x128xf32, #tpu.memory_space<vmem>>, vector<1024x128xf32>
    %get3A_18 = arith.constant 0 : index
    %get3A_19 = arith.constant 0 : index
    %get3A_20 = vector.load %arg7[%get3A_18, %get3A_19] : memref<1024x2xf32, #tpu.memory_space<vmem>>, vector<1024x2xf32>
    %mul3A = arith.mulf %get3A_17, %get3A_10 : vector<1024x128xf32>
    %dot_general3A = arith.constant dense<0.000000e+00> : vector<1024x2xf32>
    %dot_general3A_21 = tpu.matmul %mul3A, %convert_element_type3A_8, %dot_general3A {dimension_numbers = #tpu.dot_dimension_numbers<[1], [0], [0], [1], [0, 0, 1, 1], [], []>, transpose_lhs_hint = false} : vector<1024x128xf32>, vector<128x2xf32>, vector<1024x2xf32> -> vector<1024x2xf32>
    %mul3A_22 = arith.mulf %dot_general3A_21, %get3A_20 : vector<1024x2xf32>
    %mul3A_23 = arith.mulf %get3A_17, %get3A_17 : vector<1024x128xf32>
    %dot_general3A_24 = arith.constant dense<0.000000e+00> : vector<1024x2xf32>
    %dot_general3A_25 = tpu.matmul %mul3A_23, %convert_element_type3A_8, %dot_general3A_24 {dimension_numbers = #tpu.dot_dimension_numbers<[1], [0], [0], [1], [0, 0, 1, 1], [], []>, transpose_lhs_hint = false} : vector<1024x128xf32>, vector<128x2xf32>, vector<1024x2xf32> -> vector<1024x2xf32>
    %max3A = arith.constant 1.000000e-24 : f32
    %max3A_26 = vector.broadcast %max3A : f32 to vector<1024x2xf32>
    %max3A_27 = arith.maximumf %dot_general3A_25, %max3A_26 : vector<1024x2xf32>
    %rsqrt3A = math.rsqrt %max3A_27 : vector<1024x2xf32>
    %mul3A_28 = arith.mulf %mul3A_22, %rsqrt3A : vector<1024x2xf32>
    %mul3A_29 = arith.mulf %mul3A_28, %mul3A_28 : vector<1024x2xf32>
    %mul3A_30 = arith.constant 3.47222231E-4 : f32
    %mul3A_31 = vector.broadcast %mul3A_30 : f32 to vector<1024x2xf32>
    %mul3A_32 = arith.mulf %mul3A_29, %mul3A_31 : vector<1024x2xf32>
    %add3A = arith.constant -0.00520833349 : f32
    %add3A_33 = vector.broadcast %add3A : f32 to vector<1024x2xf32>
    %add3A_34 = arith.addf %add3A_33, %mul3A_32 : vector<1024x2xf32>
    %mul3A_35 = arith.mulf %mul3A_29, %add3A_34 : vector<1024x2xf32>
    %add3A_36 = arith.constant 1.250000e-01 : f32
    %add3A_37 = vector.broadcast %add3A_36 : f32 to vector<1024x2xf32>
    %add3A_38 = arith.addf %add3A_37, %mul3A_35 : vector<1024x2xf32>
    %mul3A_39 = arith.mulf %mul3A_29, %add3A_38 : vector<1024x2xf32>
    %add3A_40 = arith.constant 0.693147182 : f32
    %add3A_41 = vector.broadcast %add3A_40 : f32 to vector<1024x2xf32>
    %add3A_42 = arith.addf %add3A_41, %mul3A_39 : vector<1024x2xf32>
    %mul3A_43 = arith.constant 5.000000e-01 : f32
    %mul3A_44 = vector.broadcast %mul3A_43 : f32 to vector<1024x2xf32>
    %mul3A_45 = arith.mulf %mul3A_44, %mul3A_28 : vector<1024x2xf32>
    %add3A_46 = arith.addf %add3A_42, %mul3A_45 : vector<1024x2xf32>
    %eq3A_47 = arith.constant 0 : i32
    %eq3A_48 = arith.cmpi eq, %arg1, %eq3A_47 : i32
    %convert_element_type3A_49 = arith.extui %eq3A_48 : i1 to i32
    %cond3A_50 = arith.constant 0 : i32
    %cond3A_51 = arith.cmpi ne, %convert_element_type3A_49, %cond3A_50 : i32
    scf.if %cond3A_51 {
      %broadcast_in_dim3A = arith.constant 0.000000e+00 : f32
      %broadcast_in_dim3A_63 = vector.broadcast %broadcast_in_dim3A : f32 to vector<1024x2xf32>
      %swap3A_64 = arith.constant 0 : index
      %swap3A_65 = arith.constant 0 : index
      %swap3A_66 = vector.load %arg8[%swap3A_64, %swap3A_65] : memref<1024x2xf32, #tpu.memory_space<vmem>>, vector<1024x2xf32>
      tpu.vector_store %arg8[%swap3A_64, %swap3A_65], %broadcast_in_dim3A_63 {strides = array<i32>} : memref<1024x2xf32, #tpu.memory_space<vmem>>, vector<1024x2xf32>,
    } else {
    }
    %get3A_52 = arith.constant 0 : index
    %get3A_53 = arith.constant 0 : index
    %get3A_54 = vector.load %arg8[%get3A_52, %get3A_53] : memref<1024x2xf32, #tpu.memory_space<vmem>>, vector<1024x2xf32>
    %add3A_55 = arith.addf %get3A_54, %add3A_46 : vector<1024x2xf32>
    %swap3A = arith.constant 0 : index
    %swap3A_56 = arith.constant 0 : index
    %swap3A_57 = vector.load %arg8[%swap3A, %swap3A_56] : memref<1024x2xf32, #tpu.memory_space<vmem>>, vector<1024x2xf32>
    tpu.vector_store %arg8[%swap3A, %swap3A_56], %add3A_55 {strides = array<i32>} : memref<1024x2xf32, #tpu.memory_space<vmem>>, vector<1024x2xf32>,
    %eq3A_58 = arith.constant 19 : i32
    %eq3A_59 = arith.cmpi eq, %arg1, %eq3A_58 : i32
    %convert_element_type3A_60 = arith.extui %eq3A_59 : i1 to i32
    %cond3A_61 = arith.constant 0 : i32
    %cond3A_62 = arith.cmpi ne, %convert_element_type3A_60, %cond3A_61 : i32
    scf.if %cond3A_62 {
      %get3A_63 = arith.constant 0 : index
      %get3A_64 = arith.constant 0 : index
      %get3A_65 = vector.load %arg8[%get3A_63, %get3A_64] : memref<1024x2xf32, #tpu.memory_space<vmem>>, vector<1024x2xf32>
      %reduce_sum3A = vector.shape_cast %get3A_65 : vector<1024x2xf32> to vector<1x1024x2xf32>
      %reduce_sum3A_66 = arith.constant dense<0.000000e+00> : vector<1xf32>
      %reduce_sum3A_67 = vector.multi_reduction <add>, %reduce_sum3A, %reduce_sum3A_66 [1, 2] : vector<1x1024x2xf32> to vector<1xf32>
      %reduce_sum3A_68 = vector.shape_cast %reduce_sum3A_67 : vector<1xf32> to vector<1x1x1xf32>
      %reduce_sum3A_69 = vector.extract %reduce_sum3A_68[0, 0, 0] : f32 from vector<1x1x1xf32>
      %reshape3A = vector.broadcast %reduce_sum3A_69 : f32 to vector<1x1x1xf32>
      %swap3A_70 = arith.constant 0 : index
      %swap3A_71 = arith.constant 0 : index
      %swap3A_72 = arith.constant 0 : index
      %swap3A_73 = vector.load %arg6[%swap3A_70, %swap3A_71, %swap3A_72] : memref<1x1x1xf32, #tpu.memory_space<vmem>>, vector<1x1x1xf32>
      tpu.vector_store %arg6[%swap3A_70, %swap3A_71, %swap3A_72], %reshape3A {strides = array<i32>} : memref<1x1x1xf32, #tpu.memory_space<vmem>>, vector<1x1x1xf32>,
    } else {
    }
    return
  }
  func.func @transform_0(%arg0: i32, %arg1: i32) -> (i32, i32) {
    %c0_i32 = arith.constant 0 : i32
    %c0_i32_0 = arith.constant 0 : i32
    return %arg0, %c0_i32 : i32, i32
  }
  func.func @transform_1(%arg0: i32, %arg1: i32) -> (i32, i32) {
    %c0_i32 = arith.constant 0 : i32
    %c0_i32_0 = arith.constant 0 : i32
    return %arg0, %c0_i32 : i32, i32
  }
  func.func @transform_2(%arg0: i32, %arg1: i32) -> (i32, i32) {
    %mul3A = arith.constant 8 : i32
    %mul3A_0 = arith.muli %arg1, %mul3A : i32
    %add3A = arith.addi %mul3A_0, %arg0 : i32
    %c0_i32 = arith.constant 0 : i32
    %c0_i32_1 = arith.constant 0 : i32
    return %add3A, %c0_i32 : i32, i32
  }
  func.func @transform_3(%arg0: i32, %arg1: i32) -> (i32, i32, i32) {
    %c0_i32 = arith.constant 0 : i32
    %c0_i32_0 = arith.constant 0 : i32
    %c0_i32_1 = arith.constant 0 : i32
    return %arg0, %c0_i32, %c0_i32_0 : i32, i32, i32
  }
  func.func @transform_4(%arg0: i32, %arg1: i32) -> (i32, i32, i32) {
    %c0_i32 = arith.constant 0 : i32
    %c0_i32_0 = arith.constant 0 : i32
    %c0_i32_1 = arith.constant 0 : i32
    return %arg0, %c0_i32, %c0_i32_0 : i32, i32, i32
  }
}

</mosaic_0001>

<sc_bundles>
// kernel: kernel.4.cloned.1.call-start
scs
__scs_entry_jumppad:
0x0: {  	(pc) =	sbr.rel $0x88, $3  }
0x1: {  	(tag) =	ssettag $0x0;
	lr =	simm.s32 $0x1  }
0x2: {  	[smem:$0x3F9C] =	sst lr;
	_ =	strace $0xD0000000  }
0x3: {  	_ = 	snop  }
0x4: {  	_ = 	snop  }
0x5: {  	_ = 	snop  }
0x6: {  	_ = 	snop  }
0x7: {  	_ = 	snop  }
__scs_overlays_trampoline_lowered:
0x8: {  	[smem:$0x3FAB] =	sst s0  }
0x9: {  	[smem:$0x3FAC] =	sst s1  }
0xa: {  	[smem:$0x3FAD] =	sst s2  }
0xb: {  	[smem:$0x3FAE] =	sst s3  }
0xc: {  	[smem:$0x3FAF] =	sst s4  }
0xd: {  	[smem:$0x3FB0] =	sst s5  }
0xe: {  	[smem:$0x3FB1] =	sst s6  }
0xf: {  	[smem:$0x3FB2] =	sst s7  }
0x10: {  	[smem:$0x3FB3] =	sst s8  }
0x11: {  	[smem:$0x3FB4] =	sst s9;
	s0 =	simm.s32 @!p0 $0x0  }
0x12: {  	s1 =	sld [smem:$0x3F9A];
	s0 =	simm.s32 @p0 $0x1  }
0x13: {  	[smem:$0x3FB5] =	sst s0;
	s0 =	simm.s32 @!p1 $0x0  }
0x14: {  	s2 =	sld [smem:$0x3F99];
	s0 =	simm.s32 @p1 $0x1  }
0x15: {  	[smem:$0x3FB6] =	sst s0;
	s0 =	simm.s32 @!p2 $0x0  }
0x16: {  	s3 =	sld [smem:$0x3FDB];
	s0 =	simm.s32 @p2 $0x1  }
0x17: {  	s4 =	simm.s32 $0x1BF5;
	[smem:$0x3FB8] =	sst s0  }
0x18: {  	s0 =	sld [smem:$0x3F9B];
	_ =	swait.ge [sflag:s4], $0x0  }
0x19: {  	s7 =	sld [smem:$0x3F9C]  }
0x1a: {  	s8 =	sadd.s32 $0xFFFFE003, lr  }
0x1b: {  	s9 =	sadd.s32 $0xFFFFFEF7, lr;
	s5 =	simm.s32 $0xFFFFFFFF;
	p2 =	slt.u32 s8, $0xFFFFF086  }
0x1c: {  	p1 =	slt.u32 s9, $0xF7A;
	s5 =	simm.s32 @!p2 $0x0  }
0x1d: {  	s5 =	simm.s32 @p1 $0x1;
	p0 =	seq.s32 s7, s2  }
0x1e: {  	s7 =	smul.u32 @!p0 $0xF7A, s2;
	p2 =	seq.s32 @!p0 s5, $0x0  }
0x1f: {  	s9 =	smul.u32 $0xF7A, s1;
	s8 =	simm.s32 @!p0 $0x1BF5;
	p2 =	por !p2, p0  }
0x20: {  	[sflag:s8] =	ssyncset.s32 @!p0 $0xFFFFF086;
	s6 =	sadd.s32 @!p0 s3, s7;
	s7 =	simm.s32 @!p0 $0x108  }
0x21: {  	s3 =	sadd.s32 s3, s9;
	s6 =	sadd.s32 @!p0 $0x88, s6;
	s7 =	simm.s32 @p2 $0x1082  }
0x22: {  	[simem:s7], [sflag:s8] =	dma.local @!p0 [hbm:s6], $0xF7A  }
0x23: {  	s9 =	sor.u32 $0xD0000000, s2;
	s6 =	simm.s32 $0x108;
	_ =	swait.ge @!p0 [sflag:s8], $0x0  }
0x24: {  	s3 =	sadd.s32 $0x88, s3;
	s6 =	simm.s32 @!p1 $0x1082;
	[sflag:s4] =	ssyncset.s32 $0xFFFFF086  }
0x25: {  	[simem:s6], [sflag:s4] =	dma.local [hbm:s3], $0xF7A  }
0x26: {  	[smem:$0x3F9C] =	sst s1;
	(tag) =	ssettag s2;
	_ =	strace s9  }
0x27: {  	s1 =	sld [smem:$0x3FAC]  }
0x28: {  	s2 =	sld [smem:$0x3FAD]  }
0x29: {  	s4 =	sld [smem:$0x3FAF]  }
0x2a: {  	p0 =	seq.s32 s5, $0x0;
	s5 =	sld [smem:$0x3FB0]  }
0x2b: {  	s6 =	sld [smem:$0x3FB1]  }
0x2c: {  	s7 =	sld [smem:$0x3FB2]  }
0x2d: {  	s3 =	simm.s32 $0x108;
	s8 =	sld [smem:$0x3FB3]  }
0x2e: {  	s3 =	simm.s32 @!p0 $0x1082;
	s9 =	sld [smem:$0x3FB4]  }
0x2f: {  	lr =	sadd.s32 s0, s3;
	s0 =	sld [smem:$0x3FAB]  }
0x30: {  	s3 =	sld [smem:$0x3FAE]  }
0x31: {  	[smem:$0x3FB7] =	sst s10  }
0x32: {  	s10 =	sld [smem:$0x3FB5];
	_ =	sdelay $0x3  }
0x33: {  	p0 =	seq.s32 s10, $0x1;
	s10 =	sld [smem:$0x3FB7];
	_ =	sdelay $0x3  }
0x34: {  	[smem:$0x3FB7] =	sst s10  }
0x35: {  	s10 =	sld [smem:$0x3FB6];
	_ =	sdelay $0x3  }
0x36: {  	p1 =	seq.s32 s10, $0x1;
	s10 =	sld [smem:$0x3FB7];
	_ =	sdelay $0x3  }
0x37: {  	[smem:$0x3FB7] =	sst s10  }
0x38: {  	s10 =	sld [smem:$0x3FB8]  }
0x39: {  	_ = 	snop;
	(pc) =	sbr.ind lr, $3  }
0x3a: {  	_ = 	snop  }
0x3b: {  	_ = 	snop  }
0x3c: {  	p2 =	seq.s32 s10, $0x1;
	s10 =	sld [smem:$0x3FB7]  }
0x3d: {  	_ =	shalt  }
0x3e: {  	_ =	shalt  }
0x3f: {  	_ =	shalt  }
0x40: {  	_ =	shalt  }
0x41: {  	_ =	shalt  }
0x42: {  	_ =	shalt  }
0x43: {  	_ =	shalt  }
0x44: {  	_ =	shalt  }
0x45: {  	_ =	shalt  }
0x46: {  	_ =	shalt  }
0x47: {  	_ =	shalt  }
0x48: {  	_ =	shalt  }
0x49: {  	_ =	shalt  }
0x4a: {  	_ =	shalt  }
0x4b: {  	_ =	shalt  }
0x4c: {  	_ =	shalt  }
0x4d: {  	_ =	shalt  }
0x4e: {  	_ =	shalt  }
0x4f: {  	_ =	shalt  }
0x50: {  	_ =	shalt  }
0x51: {  	_ =	shalt  }
0x52: {  	_ =	shalt  }
0x53: {  	_ =	shalt  }
0x54: {  	_ =	shalt  }
0x55: {  	_ =	shalt  }
0x56: {  	_ =	shalt  }
0x57: {  	_ =	shalt  }
0x58: {  	_ =	shalt  }
0x59: {  	_ =	shalt  }
0x5a: {  	_ =	shalt  }
0x5b: {  	_ =	shalt  }
0x5c: {  	_ =	shalt  }
0x5d: {  	_ =	shalt  }
0x5e: {  	_ =	shalt  }
0x5f: {  	_ =	shalt  }
0x60: {  	_ =	shalt  }
0x61: {  	_ =	shalt  }
0x62: {  	_ =	shalt  }
0x63: {  	_ =	shalt  }
0x64: {  	_ =	shalt  }
0x65: {  	_ =	shalt  }
0x66: {  	_ =	shalt  }
0x67: {  	_ =	shalt  }
0x68: {  	_ =	shalt  }
0x69: {  	_ =	shalt  }
0x6a: {  	_ =	shalt  }
0x6b: {  	_ =	shalt  }
0x6c: {  	_ =	shalt  }
0x6d: {  	_ =	shalt  }
0x6e: {  	_ =	shalt  }
0x6f: {  	_ =	shalt  }
0x70: {  	_ =	shalt  }
0x71: {  	_ =	shalt  }
0x72: {  	_ =	shalt  }
0x73: {  	_ =	shalt  }
0x74: {  	_ =	shalt  }
0x75: {  	_ =	shalt  }
0x76: {  	_ =	shalt  }
0x77: {  	_ =	shalt  }
0x78: {  	_ =	shalt  }
0x79: {  	_ =	shalt  }
0x7a: {  	_ =	shalt  }
0x7b: {  	_ =	shalt  }
0x7c: {  	_ =	shalt  }
0x7d: {  	_ =	shalt  }
0x7e: {  	_ =	shalt  }
0x7f: {  	_ =	shalt  }
0x80: {  	_ =	shalt  }
0x81: {  	_ =	shalt  }
0x82: {  	_ =	shalt  }
0x83: {  	_ =	shalt  }
0x84: {  	_ =	shalt  }
0x85: {  	_ =	shalt  }
0x86: {  	_ =	shalt  }
0x87: {  	_ =	shalt  }
.Lfunc_end0:
.L_simem_size_0:
called_computation_lowered:
.L_overlay_start_0:
0x88: {  	s2 =	sld [smem:$0x3FD9]  }
0x89: {  	s3 =	sld [smem:$0x3FFE];
	_ =	sdelay $0x1  }
0x8a: {  	s1 =	srdreg.scid  }
0x8b: {  	s0 =	sand.u32 $0x1, s1  }
0x8c: {  	s16 =	sshll.u32 s0, $0xA;
	s2 =	sadd.s32 s3, s2  }
0x8d: {  	s2 =	sadd.s32 s2, s16  }
0x8e: {  	[smem:$0x3FC3] =	sst s2  }
0x8f: {  	_ = 	snop  }
0x90: {  	(tm) =	ssettm $0x1  }
0x91: {  	s17 =	sld [smem:$0x3FFB];
	_ =	sdelay $0x3  }
0x92: {  	_ =	strace s17  }
0x93: {  	s2 =	sld [smem:$0x3FFC];
	_ =	sdelay $0x3  }
0x94: {  	_ =	strace s2  }
0x95: {  	s2 =	sld [smem:$0x3FFD];
	_ =	sdelay $0x3  }
0x96: {  	_ =	strace s2  }
0x97: {  	_ =	strace $0x8FFFFFFF  }
0x98: {  	s18 =	sld [smem:$0x3FDB];
	_ =	sdelay $0x1  }
0x99: {  	s19 =	simm.s32 $_scs_section_size  }
0x9a: {  	s4 =	simm.s32 $_size__tile_overlayer_lowered;
	s5 =	simm.s32 $_tile_overlayer_lowered  }
0x9b: {  	s22 =	simm.s32 $0x1BFF;
	s21 =	sshll.u32 s5, $0x1;
	s2 =	sadd.s32 s19, s18  }
0x9c: {  	s6 =	simm.s32 $0x0;
	s20 =	sshll.u32 s4, $0x1;
	s4 =	sadd.s32 s21, s2  }
0x9d: {  	[timem:s6], [sflag:s22] =	dma.local [hbm:s4], s20  }
0x9e: {  	_ =	swait.ge [sflag:s22], s20  }
0x9f: {  	s3 =	ssub.s32 $0x0, s20;
	[sflag:s22] =	ssyncset.done $0x0  }
0xa0: {  	[sflag:s22] =	ssyncadd.s32 s3;
	_ =	sdelay $0x1  }
0xa1: {  	s23 =	simm.s32 $0x1B8B  }
0xa2: {  	_ =	swait.ge [sflag:s23], $0x1  }
0xa3: {  	[sflag:s23] =	ssyncset.done $0x0  }
0xa4: {  	s25 =	simm.s32 $0x1B8E;
	s24 =	sld [smem:$0x3FFE];
	[sflag:s23] =	ssyncadd.s32 $0xFFFFFFFF  }
0xa5: {  	s26 =	simm.s32 $execute0_lowered;
	[smem:$0x3FD2] =	sst s25  }
0xa6: {  	s4 =	sshll.u32 s26, $0x1;
	_ =	strace $0x80000046;
	[dreg:$0x1] =	wrdreg $0xFFFFFFFF  }
0xa7: {  	s28 =	simm.s32 $_size_execute0_lowered;
	s2 =	sadd.s32 s2, s4;
	[dreg:$0x0] =	wrdreg $0x0  }
0xa8: {  	s4 =	sshll.u32 s28, $0x1;
	[dreg:$0x2] =	wrdreg s2  }
0xa9: {  	[dreg:$0x3] =	wrdreg s4  }
0xaa: {  	[dreg:$0x4] =	wrdreg $0xC0  }
0xab: {  	_ =	task [dreg:s6], $0x5FFFF  }
0xac: {  	[dreg:$0x1] =	wrdreg $0xFFFFFFFF  }
0xad: {  	[dreg:$0x0] =	wrdreg $0x60  }
0xae: {  	[dreg:$0x2] =	wrdreg s24  }
0xaf: {  	[dreg:$0x3] =	wrdreg $0x9  }
0xb0: {  	_ =	task.clear_ibuf [dreg:s6], $0x4FFFF;
	_ =	strace $0x90000046  }
0xb1: {  	s29 =	simm.s32 $0x9;
	_ =	strace $0x80000048  }
0xb2: {  	_ =	swait.ge [sflag:s29], $0x1  }
0xb3: {  	[sflag:s29] =	ssyncadd.s32 $0xFFFFFFFF  }
0xb4: {  	_ =	strace $0x90000048  }
0xb5: {  	_ =	sfence  }
0xb6: {  	s30 =	sld [smem:$0x0];
	_ =	sdelay $0x2  }
0xb7: {  	s31 =	sshll.u32 s1, $0xD;
	s1 =	sshrl.u32 s1, $0x2  }
0xb8: {  	s3 =	sand.u32 $0x4000, s31;
	s1 =	sadd.s32 s1, s30  }
0xb9: {  	s0 =	sor.u32 s3, s0;
	s1 =	sshll.u32 s1, $0x11  }
0xba: {  	s0 =	sor.u32 s1, s0  }
0xbb: {  	s0 =	sadd.s32 $0x8F2B, s0  }
0xbc: {  	[sflag:s0] =	ssyncadd.remote.s32 $0x1  }
0xbd: {  	_ =	sfence.sel $0xFFFF  }
0xbe: {  	[dreg:$0x0] =	wrdreg $0xFFFFFFFF;
	(pc) =	sbr.abs _section_cstart, $3  }
0xbf: {  	[dreg:$0x1] =	wrdreg $0xFFFFFFFF  }
0xc0: {  	_ =	task.clear_ibuf [dreg:s6], $0x2FFFF;
	_ =	strace $0x9FFFFFFF  }
0xc1: {  	(tm) =	ssettm $0x7FFFFFFF  }
tec
execute0_lowered:
.L_overlay_start_1:
0x0: {  	(tag) =	ssettag $0x1  }
0x1: {  	s0 =	srdreg.scid  }
0x2: {  	s2 =	stileid.u32;
	s3 =	rddreg [dreg:$0x0]  }
0x3: {  	s1 =	sand.u32 $0x1, s0;
	s13 =	sshll.u32 s2, $0x1;
	s2 =	simm.s32 $0x0  }
0x4: {  	s6 =	sadd.s32 $0x193A00, s3;
	s19 =	sadd.s32 $0x31A600, s3;
	s0 =	sor.u32 s1, s13  }
0x5: {  	[smem:$0x7FF] =	sst s2;
	s4 =	sshll.u32 s0, $0x6;
	s5 =	smul.u32 $0x500, s0  }
0x6: {  	_ =	strace $0x80000047;
	[dreg:$0x2] =	wrdreg s6;
	s4 =	sadd.s32 s4, s3  }
0x7: {  	s7 =	sshll.u32 s0, $0xC;
	s18 =	smul.u32 $0x14000, s0;
	s14 =	sadd.s32 $0x2000, s4  }
0x8: {  	s15 =	sadd.s32 s7, s3;
	s4 =	sadd.s32 $0x2800, s4;
	[dreg:$0x3] =	wrdreg s14  }
0x9: {  	s0 =	smul.u32 $0xA0000, s0;
	s17 =	sadd.s32 $0xD000, s15;
	[dreg:$0x4] =	wrdreg s4  }
0xa: {  	s5 =	sadd.s32 s5, s3;
	s20 =	sadd.s32 $0x2D000, s15;
	[dreg:$0x6] =	wrdreg s17  }
0xb: {  	s24 =	sadd.s32 s19, s18;
	s16 =	sadd.s32 $0x3000, s5;
	[dreg:$0x7] =	wrdreg s20  }
0xc: {  	s21 =	sadd.s32 $0x1000, s24;
	[dreg:$0x5] =	wrdreg s16  }
0xd: {  	s0 =	sshrl.u32 s0, $0x3;
	s22 =	sadd.s32 $0x2000, s24;
	[dreg:$0x8] =	wrdreg s21  }
0xe: {  	s23 =	sadd.s32 $0x3000, s24;
	s0 =	sadd.s32 s19, s0;
	[dreg:$0x9] =	wrdreg s22  }
0xf: {  	[dreg:$0xa] =	wrdreg s23;
	s25 =	sadd.s32 $0x4000, s0  }
0x10: {  	s26 =	sadd.s32 $0x5000, s0;
	[dreg:$0xb] =	wrdreg s25  }
0x11: {  	s31 =	simm.s32 $0x7;
	s5 =	sadd.s32 $0x6000, s0;
	[dreg:$0xc] =	wrdreg s26  }
0x12: {  	s30 =	simm.s32 $0x400;
	s6 =	sadd.s32 $0x7000, s0;
	[dreg:$0xd] =	wrdreg s5  }
0x13: {  	s29 =	simm.s32 $0x1000;
	s7 =	sadd.s32 $0x8000, s0;
	[dreg:$0xe] =	wrdreg s6  }
0x14: {  	s28 =	simm.s32 $0x1200;
	s8 =	sadd.s32 $0x9000, s0;
	[dreg:$0xf] =	wrdreg s7  }
0x15: {  	p0 =	por $0x0, $0x0;
	s9 =	sadd.s32 $0xA000, s0;
	[dreg:$0x10] =	wrdreg s8  }
0x16: {  	s1 =	ssub.s32 $0x2, s1;
	s10 =	sadd.s32 $0xB000, s0;
	[dreg:$0x11] =	wrdreg s9  }
0x17: {  	s3 =	sadd.s32 $0x257000, s3;
	s11 =	sadd.s32 $0xC000, s0;
	[dreg:$0x12] =	wrdreg s10  }
0x18: {  	s17 =	sshrl.u32 s1, $0x1;
	s12 =	sadd.s32 $0xD000, s0;
	[dreg:$0x13] =	wrdreg s11  }
0x19: {  	s4 =	simm.s32 $0x2C00;
	s13 =	sadd.s32 $0xE000, s0;
	[dreg:$0x14] =	wrdreg s12  }
0x1a: {  	s20 =	simm.s32 $0x1E00;
	s14 =	sadd.s32 $0xF000, s0;
	[dreg:$0x15] =	wrdreg s13  }
0x1b: {  	s15 =	sadd.s32 $0x10000, s0;
	s16 =	sadd.s32 $0x11000, s0;
	[dreg:$0x16] =	wrdreg s14  }
0x1c: {  	s18 =	sadd.s32 $0x12000, s0;
	s1 =	ssub.s32 s1, s17;
	[dreg:$0x17] =	wrdreg s15  }
0x1d: {  	s0 =	sadd.s32 $0x13000, s0;
	s21 =	simm.s32 $0x600;
	[dreg:$0x18] =	wrdreg s16  }
0x1e: {  	s22 =	simm.s32 $0x800;
	s23 =	simm.s32 $0xA00;
	[dreg:$0x19] =	wrdreg s18  }
0x1f: {  	s17 =	simm.s32 $0x2400;
	[dreg:$0x1a] =	wrdreg s0;
	s19 =	smax.u32 s1, $0x1  }
0x20: {  	s7 =	simm.s32 $0x200;
	s11 =	simm.s32 $0xAC00;
	[dreg:$0x1b] =	wrdreg s21  }
0x21: {  	s5 =	simm.s32 $0x1;
	s9 =	simm.s32 $0x12C00;
	[dreg:$0x1c] =	wrdreg s22  }
0x22: {  	s13 =	simm.s32 $0x2;
	s6 =	simm.s32 $0x4;
	[dreg:$0x1d] =	wrdreg s23  }
0x23: {  	s25 =	simm.s32 $0xC00;
	s12 =	simm.s32 $0x3;
	s26 =	simm.s32 $0xE00  }
0x24: {  	s10 =	simm.s32 $0x5;
	s8 =	simm.s32 $0x6;
	p1 =	sne.s32 s19, $0x1  }
.Ltmp0:
0x25: {  	s23 =	simm.s32 $0x1800;
	s22 =	simm.s32 $0x1A00;
	(pc) =	sbr.rel @!p1 .LBB2_3-.Ltmp0, $4  }
0x26: {  	s21 =	simm.s32 $0x1C00;
	s18 =	simm.s32 $0x2200;
	s0 =	rddreg [dreg:$0x3]  }
0x27: {  	s16 =	simm.s32 $0x2600;
	s15 =	simm.s32 $0x2800;
	[dreg:$0x1e] =	wrdreg s25  }
0x28: {  	s14 =	simm.s32 $0x2A00;
	[dreg:$0x1f] =	wrdreg s26;
	s26 =	simm.s32 $0x1400  }
0x29: {  	s25 =	simm.s32 $0x1600;
	s1 =	sadd.s32 $0xFFFFFFFF, s19;
	s19 =	simm.s32 $0x2000  }
0x2a: {  	[tilespmem:s2], [sflag:$0x7] =	stream.linear.gather [hbm4b:s0+s2], $0x200, $0x38;
	[tilespmem:$0x1AC00] =	vst v63  }
0x2b: {  	_ =	swait.ge [sflag:s31], $0x200  }
0x2c: {  	[sflag:s31] =	ssyncset.done $0x0  }
0x2d: {  	s0 =	rddreg [dreg:$0x4];
	[sflag:s31] =	ssyncadd.s32 $0xFFFFFE00  }
0x2e: {  	[tilespmem:s7], [sflag:$0x7] =	stream.linear.gather [hbm4b:s0+s2], $0x200, $0x38;
	[tilespmem:$0x1AC00] =	vst v63  }
0x2f: {  	_ =	swait.ge [sflag:s31], $0x200  }
0x30: {  	[sflag:s31] =	ssyncset.done $0x0  }
0x31: {  	s0 =	rddreg [dreg:$0x5];
	[sflag:s31] =	ssyncadd.s32 $0xFFFFFE00  }
0x32: {  	[tilespmem:s30], [sflag:$0x7] =	stream.linear.gather [hbm4b:s0+s2], $0x2800, $0x38;
	[tilespmem:$0x1AC00] =	vst v63  }
0x33: {  	_ =	swait.ge [sflag:s31], $0x2800  }
0x34: {  	[sflag:s31] =	ssyncset.done $0x0  }
0x35: {  	s0 =	rddreg [dreg:$0x2];
	[sflag:s31] =	ssyncadd.s32 $0xFFFFD800  }
0x36: {  	[tilespmem:s4], [sflag:$0x1] =	stream.indirect.gather [hbm4b:s0+s7], $0x40, s2, s7, $0xb8;
	[tilespmem:$0x1AC00] =	vst v63  }
0x37: {  	_ = 	snop  }
0x38: {  	[tilespmem:s11], [sflag:$0x2] =	stream.indirect.gather [hbm4b:s3+s7], $0x40, s7, s7, $0xb8;
	[tilespmem:$0x1AC00] =	vst v63  }
0x39: {  	_ =	swait.ge [sflag:s5], $0x8000  }
0x3a: {  	[sflag:s5] =	ssyncset.done $0x0  }
0x3b: {  	s0 =	rddreg [dreg:$0x6];
	[sflag:s5] =	ssyncadd.s32 $0xFFFF8000  }
0x3c: {  	[hbm4b:s0+s2] =	stream.linear.scatter [tilespmem:s4], [sflag:$0x4], $0x8000, $0x38;
	[tilespmem:$0x1AC00] =	vst v63  }
0x3d: {  	_ = 	snop  }
0x3e: {  	[tilespmem:s9], [sflag:$0x3] =	stream.indirect.gather [hbm4b:s3+s7], $0x40, s30, s7, $0xb8;
	[tilespmem:$0x1AC00] =	vst v63  }
0x3f: {  	_ =	swait.ge [sflag:s13], $0x8000  }
0x40: {  	[sflag:s13] =	ssyncset.done $0x0  }
0x41: {  	s0 =	rddreg [dreg:$0x7];
	[sflag:s13] =	ssyncadd.s32 $0xFFFF8000  }
0x42: {  	[hbm4b:s0+s2] =	stream.linear.scatter [tilespmem:s11], [sflag:$0x5], $0x8000, $0x38;
	[tilespmem:$0x1AC00] =	vst v63  }
0x43: {  	_ =	swait.ge [sflag:s6], $0x8000  }
0x44: {  	[sflag:s6] =	ssyncset.done $0x0  }
0x45: {  	s0 =	rddreg [dreg:$0x1b];
	[sflag:s6] =	ssyncadd.s32 $0xFFFF8000  }
0x46: {  	[tilespmem:s4], [sflag:$0x1] =	stream.indirect.gather [hbm4b:s3+s7], $0x40, s0, s7, $0xb8;
	[tilespmem:$0x1AC00] =	vst v63  }
0x47: {  	_ =	swait.ge [sflag:s12], $0x8000  }
0x48: {  	[sflag:s12] =	ssyncset.done $0x0  }
0x49: {  	[sflag:s12] =	ssyncadd.s32 $0xFFFF8000  }
0x4a: {  	[hbm4b:s24+s2] =	stream.linear.scatter [tilespmem:s9], [sflag:$0x6], $0x8000, $0x38;
	[tilespmem:$0x1AC00] =	vst v63  }
0x4b: {  	_ =	swait.ge [sflag:s10], $0x8000  }
0x4c: {  	[sflag:s10] =	ssyncset.done $0x0  }
0x4d: {  	s0 =	rddreg [dreg:$0x1c];
	[sflag:s10] =	ssyncadd.s32 $0xFFFF8000  }
0x4e: {  	[tilespmem:s11], [sflag:$0x2] =	stream.indirect.gather [hbm4b:s3+s7], $0x40, s0, s7, $0xb8;
	[tilespmem:$0x1AC00] =	vst v63  }
0x4f: {  	_ =	swait.ge [sflag:s5], $0x8000  }
0x50: {  	[sflag:s5] =	ssyncset.done $0x0  }
0x51: {  	s0 =	rddreg [dreg:$0x8];
	[sflag:s5] =	ssyncadd.s32 $0xFFFF8000  }
0x52: {  	[hbm4b:s0+s2] =	stream.linear.scatter [tilespmem:s4], [sflag:$0x4], $0x8000, $0x38;
	[tilespmem:$0x1AC00] =	vst v63  }
0x53: {  	_ =	swait.ge [sflag:s8], $0x8000  }
0x54: {  	[sflag:s8] =	ssyncset.done $0x0  }
0x55: {  	s0 =	rddreg [dreg:$0x1d];
	[sflag:s8] =	ssyncadd.s32 $0xFFFF8000  }
0x56: {  	[tilespmem:s9], [sflag:$0x3] =	stream.indirect.gather [hbm4b:s3+s7], $0x40, s0, s7, $0xb8;
	[tilespmem:$0x1AC00] =	vst v63  }
0x57: {  	_ =	swait.ge [sflag:s13], $0x8000  }
0x58: {  	[sflag:s13] =	ssyncset.done $0x0  }
0x59: {  	s0 =	rddreg [dreg:$0x9];
	[sflag:s13] =	ssyncadd.s32 $0xFFFF8000  }
0x5a: {  	[hbm4b:s0+s2] =	stream.linear.scatter [tilespmem:s11], [sflag:$0x5], $0x8000, $0x38;
	[tilespmem:$0x1AC00] =	vst v63  }
0x5b: {  	_ =	swait.ge [sflag:s6], $0x8000  }
0x5c: {  	[sflag:s6] =	ssyncset.done $0x0  }
0x5d: {  	s0 =	rddreg [dreg:$0x1e];
	[sflag:s6] =	ssyncadd.s32 $0xFFFF8000  }
0x5e: {  	[tilespmem:s4], [sflag:$0x1] =	stream.indirect.gather [hbm4b:s3+s7], $0x40, s0, s7, $0xb8;
	[tilespmem:$0x1AC00] =	vst v63  }
0x5f: {  	_ =	swait.ge [sflag:s12], $0x8000  }
0x60: {  	[sflag:s12] =	ssyncset.done $0x0  }
0x61: {  	s0 =	rddreg [dreg:$0xa];
	[sflag:s12] =	ssyncadd.s32 $0xFFFF8000  }
0x62: {  	[hbm4b:s0+s2] =	stream.linear.scatter [tilespmem:s9], [sflag:$0x6], $0x8000, $0x38;
	[tilespmem:$0x1AC00] =	vst v63  }
0x63: {  	_ =	swait.ge [sflag:s10], $0x8000  }
0x64: {  	[sflag:s10] =	ssyncset.done $0x0  }
0x65: {  	s0 =	rddreg [dreg:$0x1f];
	[sflag:s10] =	ssyncadd.s32 $0xFFFF8000  }
0x66: {  	[tilespmem:s11], [sflag:$0x2] =	stream.indirect.gather [hbm4b:s3+s7], $0x40, s0, s7, $0xb8;
	[tilespmem:$0x1AC00] =	vst v63  }
0x67: {  	_ =	swait.ge [sflag:s5], $0x8000  }
0x68: {  	[sflag:s5] =	ssyncset.done $0x0  }
0x69: {  	s0 =	rddreg [dreg:$0xb];
	[sflag:s5] =	ssyncadd.s32 $0xFFFF8000  }
0x6a: {  	[hbm4b:s0+s2] =	stream.linear.scatter [tilespmem:s4], [sflag:$0x4], $0x8000, $0x38;
	[tilespmem:$0x1AC00] =	vst v63  }
0x6b: {  	_ =	swait.ge [sflag:s8], $0x8000  }
0x6c: {  	[sflag:s8] =	ssyncset.done $0x0  }
0x6d: {  	[sflag:s8] =	ssyncadd.s32 $0xFFFF8000  }
0x6e: {  	[tilespmem:s9], [sflag:$0x3] =	stream.indirect.gather [hbm4b:s3+s7], $0x40, s29, s7, $0xb8;
	[tilespmem:$0x1AC00] =	vst v63  }
0x6f: {  	_ =	swait.ge [sflag:s13], $0x8000  }
0x70: {  	[sflag:s13] =	ssyncset.done $0x0  }
0x71: {  	s0 =	rddreg [dreg:$0xc];
	[sflag:s13] =	ssyncadd.s32 $0xFFFF8000  }
0x72: {  	[hbm4b:s0+s2] =	stream.linear.scatter [tilespmem:s11], [sflag:$0x5], $0x8000, $0x38;
	[tilespmem:$0x1AC00] =	vst v63  }
0x73: {  	_ =	swait.ge [sflag:s6], $0x8000  }
0x74: {  	[sflag:s6] =	ssyncset.done $0x0  }
0x75: {  	[sflag:s6] =	ssyncadd.s32 $0xFFFF8000  }
0x76: {  	[tilespmem:s4], [sflag:$0x1] =	stream.indirect.gather [hbm4b:s3+s7], $0x40, s28, s7, $0xb8;
	[tilespmem:$0x1AC00] =	vst v63  }
0x77: {  	_ =	swait.ge [sflag:s12], $0x8000  }
0x78: {  	[sflag:s12] =	ssyncset.done $0x0  }
0x79: {  	s0 =	rddreg [dreg:$0xd];
	[sflag:s12] =	ssyncadd.s32 $0xFFFF8000  }
0x7a: {  	[hbm4b:s0+s2] =	stream.linear.scatter [tilespmem:s9], [sflag:$0x6], $0x8000, $0x38;
	[tilespmem:$0x1AC00] =	vst v63  }
0x7b: {  	_ =	swait.ge [sflag:s10], $0x8000  }
0x7c: {  	[sflag:s10] =	ssyncset.done $0x0  }
0x7d: {  	[sflag:s10] =	ssyncadd.s32 $0xFFFF8000  }
0x7e: {  	[tilespmem:s11], [sflag:$0x2] =	stream.indirect.gather [hbm4b:s3+s7], $0x40, s26, s7, $0xb8;
	[tilespmem:$0x1AC00] =	vst v63  }
0x7f: {  	_ =	swait.ge [sflag:s5], $0x8000  }
0x80: {  	[sflag:s5] =	ssyncset.done $0x0  }
0x81: {  	s0 =	rddreg [dreg:$0xe];
	[sflag:s5] =	ssyncadd.s32 $0xFFFF8000  }
0x82: {  	[hbm4b:s0+s2] =	stream.linear.scatter [tilespmem:s4], [sflag:$0x4], $0x8000, $0x38;
	[tilespmem:$0x1AC00] =	vst v63  }
0x83: {  	_ =	swait.ge [sflag:s8], $0x8000  }
0x84: {  	[sflag:s8] =	ssyncset.done $0x0  }
0x85: {  	[sflag:s8] =	ssyncadd.s32 $0xFFFF8000  }
0x86: {  	[tilespmem:s9], [sflag:$0x3] =	stream.indirect.gather [hbm4b:s3+s7], $0x40, s25, s7, $0xb8;
	[tilespmem:$0x1AC00] =	vst v63  }
0x87: {  	_ =	swait.ge [sflag:s13], $0x8000  }
0x88: {  	[sflag:s13] =	ssyncset.done $0x0  }
0x89: {  	s0 =	rddreg [dreg:$0xf];
	[sflag:s13] =	ssyncadd.s32 $0xFFFF8000  }
0x8a: {  	[hbm4b:s0+s2] =	stream.linear.scatter [tilespmem:s11], [sflag:$0x5], $0x8000, $0x38;
	[tilespmem:$0x1AC00] =	vst v63  }
0x8b: {  	_ =	swait.ge [sflag:s6], $0x8000  }
0x8c: {  	[sflag:s6] =	ssyncset.done $0x0  }
0x8d: {  	[sflag:s6] =	ssyncadd.s32 $0xFFFF8000  }
0x8e: {  	[tilespmem:s4], [sflag:$0x1] =	stream.indirect.gather [hbm4b:s3+s7], $0x40, s23, s7, $0xb8;
	[tilespmem:$0x1AC00] =	vst v63  }
0x8f: {  	_ =	swait.ge [sflag:s12], $0x8000  }
0x90: {  	[sflag:s12] =	ssyncset.done $0x0  }
0x91: {  	s0 =	rddreg [dreg:$0x10];
	[sflag:s12] =	ssyncadd.s32 $0xFFFF8000  }
0x92: {  	[hbm4b:s0+s2] =	stream.linear.scatter [tilespmem:s9], [sflag:$0x6], $0x8000, $0x38;
	[tilespmem:$0x1AC00] =	vst v63  }
0x93: {  	_ =	swait.ge [sflag:s10], $0x8000  }
0x94: {  	[sflag:s10] =	ssyncset.done $0x0  }
0x95: {  	[sflag:s10] =	ssyncadd.s32 $0xFFFF8000  }
0x96: {  	[tilespmem:s11], [sflag:$0x2] =	stream.indirect.gather [hbm4b:s3+s7], $0x40, s22, s7, $0xb8;
	[tilespmem:$0x1AC00] =	vst v63  }
0x97: {  	_ =	swait.ge [sflag:s5], $0x8000  }
0x98: {  	[sflag:s5] =	ssyncset.done $0x0  }
0x99: {  	s0 =	rddreg [dreg:$0x11];
	[sflag:s5] =	ssyncadd.s32 $0xFFFF8000  }
0x9a: {  	[hbm4b:s0+s2] =	stream.linear.scatter [tilespmem:s4], [sflag:$0x4], $0x8000, $0x38;
	[tilespmem:$0x1AC00] =	vst v63  }
0x9b: {  	_ =	swait.ge [sflag:s8], $0x8000  }
0x9c: {  	[sflag:s8] =	ssyncset.done $0x0  }
0x9d: {  	[sflag:s8] =	ssyncadd.s32 $0xFFFF8000  }
0x9e: {  	[tilespmem:s9], [sflag:$0x3] =	stream.indirect.gather [hbm4b:s3+s7], $0x40, s21, s7, $0xb8;
	[tilespmem:$0x1AC00] =	vst v63  }
0x9f: {  	_ =	swait.ge [sflag:s13], $0x8000  }
0xa0: {  	[sflag:s13] =	ssyncset.done $0x0  }
0xa1: {  	s0 =	rddreg [dreg:$0x12];
	[sflag:s13] =	ssyncadd.s32 $0xFFFF8000  }
0xa2: {  	[hbm4b:s0+s2] =	stream.linear.scatter [tilespmem:s11], [sflag:$0x5], $0x8000, $0x38;
	[tilespmem:$0x1AC00] =	vst v63  }
0xa3: {  	_ =	swait.ge [sflag:s6], $0x8000  }
0xa4: {  	[sflag:s6] =	ssyncset.done $0x0  }
0xa5: {  	[sflag:s6] =	ssyncadd.s32 $0xFFFF8000  }
0xa6: {  	[tilespmem:s4], [sflag:$0x1] =	stream.indirect.gather [hbm4b:s3+s7], $0x40, s20, s7, $0xb8;
	[tilespmem:$0x1AC00] =	vst v63  }
0xa7: {  	_ =	swait.ge [sflag:s12], $0x8000  }
0xa8: {  	[sflag:s12] =	ssyncset.done $0x0  }
0xa9: {  	s0 =	rddreg [dreg:$0x13];
	[sflag:s12] =	ssyncadd.s32 $0xFFFF8000  }
0xaa: {  	[hbm4b:s0+s2] =	stream.linear.scatter [tilespmem:s9], [sflag:$0x6], $0x8000, $0x38;
	[tilespmem:$0x1AC00] =	vst v63  }
0xab: {  	_ =	swait.ge [sflag:s10], $0x8000  }
0xac: {  	[sflag:s10] =	ssyncset.done $0x0  }
0xad: {  	[sflag:s10] =	ssyncadd.s32 $0xFFFF8000  }
0xae: {  	[tilespmem:s11], [sflag:$0x2] =	stream.indirect.gather [hbm4b:s3+s7], $0x40, s19, s7, $0xb8;
	[tilespmem:$0x1AC00] =	vst v63  }
0xaf: {  	_ =	swait.ge [sflag:s5], $0x8000  }
0xb0: {  	[sflag:s5] =	ssyncset.done $0x0  }
0xb1: {  	s0 =	rddreg [dreg:$0x14];
	[sflag:s5] =	ssyncadd.s32 $0xFFFF8000  }
0xb2: {  	[hbm4b:s0+s2] =	stream.linear.scatter [tilespmem:s4], [sflag:$0x4], $0x8000, $0x38;
	[tilespmem:$0x1AC00] =	vst v63  }
0xb3: {  	_ =	swait.ge [sflag:s8], $0x8000  }
0xb4: {  	[sflag:s8] =	ssyncset.done $0x0  }
0xb5: {  	[sflag:s8] =	ssyncadd.s32 $0xFFFF8000  }
0xb6: {  	[tilespmem:s9], [sflag:$0x3] =	stream.indirect.gather [hbm4b:s3+s7], $0x40, s18, s7, $0xb8;
	[tilespmem:$0x1AC00] =	vst v63  }
0xb7: {  	_ =	swait.ge [sflag:s13], $0x8000  }
0xb8: {  	[sflag:s13] =	ssyncset.done $0x0  }
0xb9: {  	s0 =	rddreg [dreg:$0x15];
	[sflag:s13] =	ssyncadd.s32 $0xFFFF8000  }
0xba: {  	[hbm4b:s0+s2] =	stream.linear.scatter [tilespmem:s11], [sflag:$0x5], $0x8000, $0x38;
	[tilespmem:$0x1AC00] =	vst v63  }
0xbb: {  	_ =	swait.ge [sflag:s6], $0x8000  }
0xbc: {  	[sflag:s6] =	ssyncset.done $0x0  }
0xbd: {  	[sflag:s6] =	ssyncadd.s32 $0xFFFF8000  }
0xbe: {  	[tilespmem:s4], [sflag:$0x1] =	stream.indirect.gather [hbm4b:s3+s7], $0x40, s17, s7, $0xb8;
	[tilespmem:$0x1AC00] =	vst v63  }
0xbf: {  	_ =	swait.ge [sflag:s12], $0x8000  }
0xc0: {  	[sflag:s12] =	ssyncset.done $0x0  }
0xc1: {  	s0 =	rddreg [dreg:$0x16];
	[sflag:s12] =	ssyncadd.s32 $0xFFFF8000  }
0xc2: {  	[hbm4b:s0+s2] =	stream.linear.scatter [tilespmem:s9], [sflag:$0x6], $0x8000, $0x38;
	[tilespmem:$0x1AC00] =	vst v63  }
0xc3: {  	_ =	swait.ge [sflag:s10], $0x8000  }
0xc4: {  	[sflag:s10] =	ssyncset.done $0x0  }
0xc5: {  	[sflag:s10] =	ssyncadd.s32 $0xFFFF8000  }
0xc6: {  	[tilespmem:s11], [sflag:$0x2] =	stream.indirect.gather [hbm4b:s3+s7], $0x40, s16, s7, $0xb8;
	[tilespmem:$0x1AC00] =	vst v63  }
0xc7: {  	_ =	swait.ge [sflag:s5], $0x8000  }
0xc8: {  	[sflag:s5] =	ssyncset.done $0x0  }
0xc9: {  	s0 =	rddreg [dreg:$0x17];
	[sflag:s5] =	ssyncadd.s32 $0xFFFF8000  }
0xca: {  	[hbm4b:s0+s2] =	stream.linear.scatter [tilespmem:s4], [sflag:$0x4], $0x8000, $0x38;
	[tilespmem:$0x1AC00] =	vst v63  }
0xcb: {  	_ =	swait.ge [sflag:s8], $0x8000  }
0xcc: {  	[sflag:s8] =	ssyncset.done $0x0  }
0xcd: {  	[sflag:s8] =	ssyncadd.s32 $0xFFFF8000  }
0xce: {  	[tilespmem:s9], [sflag:$0x3] =	stream.indirect.gather [hbm4b:s3+s7], $0x40, s15, s7, $0xb8;
	[tilespmem:$0x1AC00] =	vst v63  }
0xcf: {  	_ =	swait.ge [sflag:s13], $0x8000  }
0xd0: {  	[sflag:s13] =	ssyncset.done $0x0  }
0xd1: {  	s0 =	rddreg [dreg:$0x18];
	[sflag:s13] =	ssyncadd.s32 $0xFFFF8000  }
0xd2: {  	[hbm4b:s0+s2] =	stream.linear.scatter [tilespmem:s11], [sflag:$0x5], $0x8000, $0x38;
	[tilespmem:$0x1AC00] =	vst v63  }
0xd3: {  	_ =	swait.ge [sflag:s6], $0x8000  }
0xd4: {  	[sflag:s6] =	ssyncset.done $0x0  }
0xd5: {  	[sflag:s6] =	ssyncadd.s32 $0xFFFF8000  }
0xd6: {  	[tilespmem:s4], [sflag:$0x1] =	stream.indirect.gather [hbm4b:s3+s7], $0x40, s14, s7, $0xb8;
	[tilespmem:$0x1AC00] =	vst v63  }
0xd7: {  	_ =	swait.ge [sflag:s12], $0x8000  }
0xd8: {  	[sflag:s12] =	ssyncset.done $0x0  }
0xd9: {  	s0 =	rddreg [dreg:$0x19];
	[sflag:s12] =	ssyncadd.s32 $0xFFFF8000  }
0xda: {  	[hbm4b:s0+s2] =	stream.linear.scatter [tilespmem:s9], [sflag:$0x6], $0x8000, $0x38;
	[tilespmem:$0x1AC00] =	vst v63  }
0xdb: {  	_ =	swait.ge [sflag:s5], $0x8000  }
0xdc: {  	[sflag:s5] =	ssyncset.done $0x0  }
0xdd: {  	s0 =	rddreg [dreg:$0x1a];
	[sflag:s5] =	ssyncadd.s32 $0xFFFF8000  }
0xde: {  	[hbm4b:s0+s2] =	stream.linear.scatter [tilespmem:s4], [sflag:$0x4], $0x8000, $0x38;
	[tilespmem:$0x1AC00] =	vst v63  }
0xdf: {  	_ =	swait.ge [sflag:s6], $0x8000  }
0xe0: {  	[sflag:s6] =	ssyncset.done $0x0  }
0xe1: {  	p1 =	sne.s32 s1, $0x1;
	[sflag:s6] =	ssyncadd.s32 $0xFFFF8000  }
.Ltmp1:
0xe2: {  	_ =	swait.ge [sflag:s10], $0x8000;
	(pc) =	sbr.rel @!p1 .LBB2_3-.Ltmp1, $4  }
0xe3: {  	[sflag:s10] =	ssyncset.done $0x0  }
0xe4: {  	[sflag:s10] =	ssyncadd.s32 $0xFFFF8000  }
0xe5: {  	s1 =	sadd.s32 $0xFFFFFFFF, s1;
	_ =	swait.ge [sflag:s8], $0x8000  }
0xe6: {  	p0 =	por $0x1, $0x1;
	s0 =	rddreg [dreg:$0x3];
	[sflag:s8] =	ssyncset.done $0x0  }
.LBB2_2:
0xe7: {  	[sflag:s8] =	ssyncadd.s32 $0xFFFF8000  }
0xe8: {  	[tilespmem:s2], [sflag:$0x7] =	stream.linear.gather [hbm4b:s0+s2], $0x200, $0x38;
	[tilespmem:$0x1AC00] =	vst v63  }
0xe9: {  	_ =	swait.ge [sflag:s31], $0x200  }
0xea: {  	[sflag:s31] =	ssyncset.done $0x0  }
0xeb: {  	s0 =	rddreg [dreg:$0x4];
	[sflag:s31] =	ssyncadd.s32 $0xFFFFFE00  }
0xec: {  	[tilespmem:s7], [sflag:$0x7] =	stream.linear.gather [hbm4b:s0+s2], $0x200, $0x38;
	[tilespmem:$0x1AC00] =	vst v63  }
0xed: {  	_ =	swait.ge [sflag:s31], $0x200  }
0xee: {  	[sflag:s31] =	ssyncset.done $0x0  }
0xef: {  	s0 =	rddreg [dreg:$0x5];
	[sflag:s31] =	ssyncadd.s32 $0xFFFFFE00  }
0xf0: {  	[tilespmem:s30], [sflag:$0x7] =	stream.linear.gather [hbm4b:s0+s2], $0x2800, $0x38;
	[tilespmem:$0x1AC00] =	vst v63  }
0xf1: {  	_ =	swait.ge [sflag:s31], $0x2800  }
0xf2: {  	[sflag:s31] =	ssyncset.done $0x0  }
0xf3: {  	s0 =	rddreg [dreg:$0x2];
	[sflag:s31] =	ssyncadd.s32 $0xFFFFD800  }
0xf4: {  	[tilespmem:s4], [sflag:$0x1] =	stream.indirect.gather [hbm4b:s0+s7], $0x40, s2, s7, $0xb8;
	[tilespmem:$0x1AC00] =	vst v63  }
0xf5: {  	_ = 	snop  }
0xf6: {  	[tilespmem:s11], [sflag:$0x2] =	stream.indirect.gather [hbm4b:s3+s7], $0x40, s7, s7, $0xb8;
	[tilespmem:$0x1AC00] =	vst v63  }
0xf7: {  	_ =	swait.ge [sflag:s5], $0x8000  }
0xf8: {  	[sflag:s5] =	ssyncset.done $0x0  }
0xf9: {  	s0 =	rddreg [dreg:$0x6];
	[sflag:s5] =	ssyncadd.s32 $0xFFFF8000  }
0xfa: {  	[hbm4b:s0+s2] =	stream.linear.scatter [tilespmem:s4], [sflag:$0x4], $0x8000, $0x38;
	[tilespmem:$0x1AC00] =	vst v63  }
0xfb: {  	_ = 	snop  }
0xfc: {  	[tilespmem:s9], [sflag:$0x3] =	stream.indirect.gather [hbm4b:s3+s7], $0x40, s30, s7, $0xb8;
	[tilespmem:$0x1AC00] =	vst v63  }
0xfd: {  	_ =	swait.ge [sflag:s13], $0x8000  }
0xfe: {  	[sflag:s13] =	ssyncset.done $0x0  }
0xff: {  	s0 =	rddreg [dreg:$0x7];
	[sflag:s13] =	ssyncadd.s32 $0xFFFF8000  }
0x100: {  	[hbm4b:s0+s2] =	stream.linear.scatter [tilespmem:s11], [sflag:$0x5], $0x8000, $0x38;
	[tilespmem:$0x1AC00] =	vst v63  }
0x101: {  	_ =	swait.ge [sflag:s6], $0x8000  }
0x102: {  	[sflag:s6] =	ssyncset.done $0x0  }
0x103: {  	s0 =	rddreg [dreg:$0x1b];
	[sflag:s6] =	ssyncadd.s32 $0xFFFF8000  }
0x104: {  	[tilespmem:s4], [sflag:$0x1] =	stream.indirect.gather [hbm4b:s3+s7], $0x40, s0, s7, $0xb8;
	[tilespmem:$0x1AC00] =	vst v63  }
0x105: {  	_ =	swait.ge [sflag:s12], $0x8000  }
0x106: {  	[sflag:s12] =	ssyncset.done $0x0  }
0x107: {  	[sflag:s12] =	ssyncadd.s32 $0xFFFF8000  }
0x108: {  	[hbm4b:s24+s2] =	stream.linear.scatter [tilespmem:s9], [sflag:$0x6], $0x8000, $0x38;
	[tilespmem:$0x1AC00] =	vst v63  }
0x109: {  	_ =	swait.ge [sflag:s10], $0x8000  }
0x10a: {  	[sflag:s10] =	ssyncset.done $0x0  }
0x10b: {  	s0 =	rddreg [dreg:$0x1c];
	[sflag:s10] =	ssyncadd.s32 $0xFFFF8000  }
0x10c: {  	[tilespmem:s11], [sflag:$0x2] =	stream.indirect.gather [hbm4b:s3+s7], $0x40, s0, s7, $0xb8;
	[tilespmem:$0x1AC00] =	vst v63  }
0x10d: {  	_ =	swait.ge [sflag:s5], $0x8000  }
0x10e: {  	[sflag:s5] =	ssyncset.done $0x0  }
0x10f: {  	s0 =	rddreg [dreg:$0x8];
	[sflag:s5] =	ssyncadd.s32 $0xFFFF8000  }
0x110: {  	[hbm4b:s0+s2] =	stream.linear.scatter [tilespmem:s4], [sflag:$0x4], $0x8000, $0x38;
	[tilespmem:$0x1AC00] =	vst v63  }
0x111: {  	_ =	swait.ge [sflag:s8], $0x8000  }
0x112: {  	[sflag:s8] =	ssyncset.done $0x0  }
0x113: {  	s0 =	rddreg [dreg:$0x1d];
	[sflag:s8] =	ssyncadd.s32 $0xFFFF8000  }
0x114: {  	[tilespmem:s9], [sflag:$0x3] =	stream.indirect.gather [hbm4b:s3+s7], $0x40, s0, s7, $0xb8;
	[tilespmem:$0x1AC00] =	vst v63  }
0x115: {  	_ =	swait.ge [sflag:s13], $0x8000  }
0x116: {  	[sflag:s13] =	ssyncset.done $0x0  }
0x117: {  	s0 =	rddreg [dreg:$0x9];
	[sflag:s13] =	ssyncadd.s32 $0xFFFF8000  }
0x118: {  	[hbm4b:s0+s2] =	stream.linear.scatter [tilespmem:s11], [sflag:$0x5], $0x8000, $0x38;
	[tilespmem:$0x1AC00] =	vst v63  }
0x119: {  	_ =	swait.ge [sflag:s6], $0x8000  }
0x11a: {  	[sflag:s6] =	ssyncset.done $0x0  }
0x11b: {  	s0 =	rddreg [dreg:$0x1e];
	[sflag:s6] =	ssyncadd.s32 $0xFFFF8000  }
0x11c: {  	[tilespmem:s4], [sflag:$0x1] =	stream.indirect.gather [hbm4b:s3+s7], $0x40, s0, s7, $0xb8;
	[tilespmem:$0x1AC00] =	vst v63  }
0x11d: {  	_ =	swait.ge [sflag:s12], $0x8000  }
0x11e: {  	[sflag:s12] =	ssyncset.done $0x0  }
0x11f: {  	s0 =	rddreg [dreg:$0xa];
	[sflag:s12] =	ssyncadd.s32 $0xFFFF8000  }
0x120: {  	[hbm4b:s0+s2] =	stream.linear.scatter [tilespmem:s9], [sflag:$0x6], $0x8000, $0x38;
	[tilespmem:$0x1AC00] =	vst v63  }
0x121: {  	_ =	swait.ge [sflag:s10], $0x8000  }
0x122: {  	[sflag:s10] =	ssyncset.done $0x0  }
0x123: {  	s0 =	rddreg [dreg:$0x1f];
	[sflag:s10] =	ssyncadd.s32 $0xFFFF8000  }
0x124: {  	[tilespmem:s11], [sflag:$0x2] =	stream.indirect.gather [hbm4b:s3+s7], $0x40, s0, s7, $0xb8;
	[tilespmem:$0x1AC00] =	vst v63  }
0x125: {  	_ =	swait.ge [sflag:s5], $0x8000  }
0x126: {  	[sflag:s5] =	ssyncset.done $0x0  }
0x127: {  	s0 =	rddreg [dreg:$0xb];
	[sflag:s5] =	ssyncadd.s32 $0xFFFF8000  }
0x128: {  	[hbm4b:s0+s2] =	stream.linear.scatter [tilespmem:s4], [sflag:$0x4], $0x8000, $0x38;
	[tilespmem:$0x1AC00] =	vst v63  }
0x129: {  	_ =	swait.ge [sflag:s8], $0x8000  }
0x12a: {  	[sflag:s8] =	ssyncset.done $0x0  }
0x12b: {  	[sflag:s8] =	ssyncadd.s32 $0xFFFF8000  }
0x12c: {  	[tilespmem:s9], [sflag:$0x3] =	stream.indirect.gather [hbm4b:s3+s7], $0x40, s29, s7, $0xb8;
	[tilespmem:$0x1AC00] =	vst v63  }
0x12d: {  	_ =	swait.ge [sflag:s13], $0x8000  }
0x12e: {  	[sflag:s13] =	ssyncset.done $0x0  }
0x12f: {  	s0 =	rddreg [dreg:$0xc];
	[sflag:s13] =	ssyncadd.s32 $0xFFFF8000  }
0x130: {  	[hbm4b:s0+s2] =	stream.linear.scatter [tilespmem:s11], [sflag:$0x5], $0x8000, $0x38;
	[tilespmem:$0x1AC00] =	vst v63  }
0x131: {  	_ =	swait.ge [sflag:s6], $0x8000  }
0x132: {  	[sflag:s6] =	ssyncset.done $0x0  }
0x133: {  	[sflag:s6] =	ssyncadd.s32 $0xFFFF8000  }
0x134: {  	[tilespmem:s4], [sflag:$0x1] =	stream.indirect.gather [hbm4b:s3+s7], $0x40, s28, s7, $0xb8;
	[tilespmem:$0x1AC00] =	vst v63  }
0x135: {  	_ =	swait.ge [sflag:s12], $0x8000  }
0x136: {  	[sflag:s12] =	ssyncset.done $0x0  }
0x137: {  	s0 =	rddreg [dreg:$0xd];
	[sflag:s12] =	ssyncadd.s32 $0xFFFF8000  }
0x138: {  	[hbm4b:s0+s2] =	stream.linear.scatter [tilespmem:s9], [sflag:$0x6], $0x8000, $0x38;
	[tilespmem:$0x1AC00] =	vst v63  }
0x139: {  	_ =	swait.ge [sflag:s10], $0x8000  }
0x13a: {  	[sflag:s10] =	ssyncset.done $0x0  }
0x13b: {  	[sflag:s10] =	ssyncadd.s32 $0xFFFF8000  }
0x13c: {  	[tilespmem:s11], [sflag:$0x2] =	stream.indirect.gather [hbm4b:s3+s7], $0x40, s26, s7, $0xb8;
	[tilespmem:$0x1AC00] =	vst v63  }
0x13d: {  	_ =	swait.ge [sflag:s5], $0x8000  }
0x13e: {  	[sflag:s5] =	ssyncset.done $0x0  }
0x13f: {  	s0 =	rddreg [dreg:$0xe];
	[sflag:s5] =	ssyncadd.s32 $0xFFFF8000  }
0x140: {  	[hbm4b:s0+s2] =	stream.linear.scatter [tilespmem:s4], [sflag:$0x4], $0x8000, $0x38;
	[tilespmem:$0x1AC00] =	vst v63  }
0x141: {  	_ =	swait.ge [sflag:s8], $0x8000  }
0x142: {  	[sflag:s8] =	ssyncset.done $0x0  }
0x143: {  	[sflag:s8] =	ssyncadd.s32 $0xFFFF8000  }
0x144: {  	[tilespmem:s9], [sflag:$0x3] =	stream.indirect.gather [hbm4b:s3+s7], $0x40, s25, s7, $0xb8;
	[tilespmem:$0x1AC00] =	vst v63  }
0x145: {  	_ =	swait.ge [sflag:s13], $0x8000  }
0x146: {  	[sflag:s13] =	ssyncset.done $0x0  }
0x147: {  	s0 =	rddreg [dreg:$0xf];
	[sflag:s13] =	ssyncadd.s32 $0xFFFF8000  }
0x148: {  	[hbm4b:s0+s2] =	stream.linear.scatter [tilespmem:s11], [sflag:$0x5], $0x8000, $0x38;
	[tilespmem:$0x1AC00] =	vst v63  }
0x149: {  	_ =	swait.ge [sflag:s6], $0x8000  }
0x14a: {  	[sflag:s6] =	ssyncset.done $0x0  }
0x14b: {  	[sflag:s6] =	ssyncadd.s32 $0xFFFF8000  }
0x14c: {  	[tilespmem:s4], [sflag:$0x1] =	stream.indirect.gather [hbm4b:s3+s7], $0x40, s23, s7, $0xb8;
	[tilespmem:$0x1AC00] =	vst v63  }
0x14d: {  	_ =	swait.ge [sflag:s12], $0x8000  }
0x14e: {  	[sflag:s12] =	ssyncset.done $0x0  }
0x14f: {  	s0 =	rddreg [dreg:$0x10];
	[sflag:s12] =	ssyncadd.s32 $0xFFFF8000  }
0x150: {  	[hbm4b:s0+s2] =	stream.linear.scatter [tilespmem:s9], [sflag:$0x6], $0x8000, $0x38;
	[tilespmem:$0x1AC00] =	vst v63  }
0x151: {  	_ =	swait.ge [sflag:s10], $0x8000  }
0x152: {  	[sflag:s10] =	ssyncset.done $0x0  }
0x153: {  	[sflag:s10] =	ssyncadd.s32 $0xFFFF8000  }
0x154: {  	[tilespmem:s11], [sflag:$0x2] =	stream.indirect.gather [hbm4b:s3+s7], $0x40, s22, s7, $0xb8;
	[tilespmem:$0x1AC00] =	vst v63  }
0x155: {  	_ =	swait.ge [sflag:s5], $0x8000  }
0x156: {  	[sflag:s5] =	ssyncset.done $0x0  }
0x157: {  	s0 =	rddreg [dreg:$0x11];
	[sflag:s5] =	ssyncadd.s32 $0xFFFF8000  }
0x158: {  	[hbm4b:s0+s2] =	stream.linear.scatter [tilespmem:s4], [sflag:$0x4], $0x8000, $0x38;
	[tilespmem:$0x1AC00] =	vst v63  }
0x159: {  	_ =	swait.ge [sflag:s8], $0x8000  }
0x15a: {  	[sflag:s8] =	ssyncset.done $0x0  }
0x15b: {  	[sflag:s8] =	ssyncadd.s32 $0xFFFF8000  }
0x15c: {  	[tilespmem:s9], [sflag:$0x3] =	stream.indirect.gather [hbm4b:s3+s7], $0x40, s21, s7, $0xb8;
	[tilespmem:$0x1AC00] =	vst v63  }
0x15d: {  	_ =	swait.ge [sflag:s13], $0x8000  }
0x15e: {  	[sflag:s13] =	ssyncset.done $0x0  }
0x15f: {  	s0 =	rddreg [dreg:$0x12];
	[sflag:s13] =	ssyncadd.s32 $0xFFFF8000  }
0x160: {  	[hbm4b:s0+s2] =	stream.linear.scatter [tilespmem:s11], [sflag:$0x5], $0x8000, $0x38;
	[tilespmem:$0x1AC00] =	vst v63  }
0x161: {  	_ =	swait.ge [sflag:s6], $0x8000  }
0x162: {  	[sflag:s6] =	ssyncset.done $0x0  }
0x163: {  	[sflag:s6] =	ssyncadd.s32 $0xFFFF8000  }
0x164: {  	[tilespmem:s4], [sflag:$0x1] =	stream.indirect.gather [hbm4b:s3+s7], $0x40, s20, s7, $0xb8;
	[tilespmem:$0x1AC00] =	vst v63  }
0x165: {  	_ =	swait.ge [sflag:s12], $0x8000  }
0x166: {  	[sflag:s12] =	ssyncset.done $0x0  }
0x167: {  	s0 =	rddreg [dreg:$0x13];
	[sflag:s12] =	ssyncadd.s32 $0xFFFF8000  }
0x168: {  	[hbm4b:s0+s2] =	stream.linear.scatter [tilespmem:s9], [sflag:$0x6], $0x8000, $0x38;
	[tilespmem:$0x1AC00] =	vst v63  }
0x169: {  	_ =	swait.ge [sflag:s10], $0x8000  }
0x16a: {  	[sflag:s10] =	ssyncset.done $0x0  }
0x16b: {  	[sflag:s10] =	ssyncadd.s32 $0xFFFF8000  }
0x16c: {  	[tilespmem:s11], [sflag:$0x2] =	stream.indirect.gather [hbm4b:s3+s7], $0x40, s19, s7, $0xb8;
	[tilespmem:$0x1AC00] =	vst v63  }
0x16d: {  	_ =	swait.ge [sflag:s5], $0x8000  }
0x16e: {  	[sflag:s5] =	ssyncset.done $0x0  }
0x16f: {  	s0 =	rddreg [dreg:$0x14];
	[sflag:s5] =	ssyncadd.s32 $0xFFFF8000  }
0x170: {  	[hbm4b:s0+s2] =	stream.linear.scatter [tilespmem:s4], [sflag:$0x4], $0x8000, $0x38;
	[tilespmem:$0x1AC00] =	vst v63  }
0x171: {  	_ =	swait.ge [sflag:s8], $0x8000  }
0x172: {  	[sflag:s8] =	ssyncset.done $0x0  }
0x173: {  	[sflag:s8] =	ssyncadd.s32 $0xFFFF8000  }
0x174: {  	[tilespmem:s9], [sflag:$0x3] =	stream.indirect.gather [hbm4b:s3+s7], $0x40, s18, s7, $0xb8;
	[tilespmem:$0x1AC00] =	vst v63  }
0x175: {  	_ =	swait.ge [sflag:s13], $0x8000  }
0x176: {  	[sflag:s13] =	ssyncset.done $0x0  }
0x177: {  	s0 =	rddreg [dreg:$0x15];
	[sflag:s13] =	ssyncadd.s32 $0xFFFF8000  }
0x178: {  	[hbm4b:s0+s2] =	stream.linear.scatter [tilespmem:s11], [sflag:$0x5], $0x8000, $0x38;
	[tilespmem:$0x1AC00] =	vst v63  }
0x179: {  	_ =	swait.ge [sflag:s6], $0x8000  }
0x17a: {  	[sflag:s6] =	ssyncset.done $0x0  }
0x17b: {  	[sflag:s6] =	ssyncadd.s32 $0xFFFF8000  }
0x17c: {  	[tilespmem:s4], [sflag:$0x1] =	stream.indirect.gather [hbm4b:s3+s7], $0x40, s17, s7, $0xb8;
	[tilespmem:$0x1AC00] =	vst v63  }
0x17d: {  	_ =	swait.ge [sflag:s12], $0x8000  }
0x17e: {  	[sflag:s12] =	ssyncset.done $0x0  }
0x17f: {  	s0 =	rddreg [dreg:$0x16];
	[sflag:s12] =	ssyncadd.s32 $0xFFFF8000  }
0x180: {  	[hbm4b:s0+s2] =	stream.linear.scatter [tilespmem:s9], [sflag:$0x6], $0x8000, $0x38;
	[tilespmem:$0x1AC00] =	vst v63  }
0x181: {  	_ =	swait.ge [sflag:s10], $0x8000  }
0x182: {  	[sflag:s10] =	ssyncset.done $0x0  }
0x183: {  	[sflag:s10] =	ssyncadd.s32 $0xFFFF8000  }
0x184: {  	[tilespmem:s11], [sflag:$0x2] =	stream.indirect.gather [hbm4b:s3+s7], $0x40, s16, s7, $0xb8;
	[tilespmem:$0x1AC00] =	vst v63  }
0x185: {  	_ =	swait.ge [sflag:s5], $0x8000  }
0x186: {  	[sflag:s5] =	ssyncset.done $0x0  }
0x187: {  	s0 =	rddreg [dreg:$0x17];
	[sflag:s5] =	ssyncadd.s32 $0xFFFF8000  }
0x188: {  	[hbm4b:s0+s2] =	stream.linear.scatter [tilespmem:s4], [sflag:$0x4], $0x8000, $0x38;
	[tilespmem:$0x1AC00] =	vst v63  }
0x189: {  	_ =	swait.ge [sflag:s8], $0x8000  }
0x18a: {  	[sflag:s8] =	ssyncset.done $0x0  }
0x18b: {  	[sflag:s8] =	ssyncadd.s32 $0xFFFF8000  }
0x18c: {  	[tilespmem:s9], [sflag:$0x3] =	stream.indirect.gather [hbm4b:s3+s7], $0x40, s15, s7, $0xb8;
	[tilespmem:$0x1AC00] =	vst v63  }
0x18d: {  	_ =	swait.ge [sflag:s13], $0x8000  }
0x18e: {  	[sflag:s13] =	ssyncset.done $0x0  }
0x18f: {  	s0 =	rddreg [dreg:$0x18];
	[sflag:s13] =	ssyncadd.s32 $0xFFFF8000  }
0x190: {  	[hbm4b:s0+s2] =	stream.linear.scatter [tilespmem:s11], [sflag:$0x5], $0x8000, $0x38;
	[tilespmem:$0x1AC00] =	vst v63  }
0x191: {  	_ =	swait.ge [sflag:s6], $0x8000  }
0x192: {  	[sflag:s6] =	ssyncset.done $0x0  }
0x193: {  	[sflag:s6] =	ssyncadd.s32 $0xFFFF8000  }
0x194: {  	[tilespmem:s4], [sflag:$0x1] =	stream.indirect.gather [hbm4b:s3+s7], $0x40, s14, s7, $0xb8;
	[tilespmem:$0x1AC00] =	vst v63  }
0x195: {  	_ =	swait.ge [sflag:s12], $0x8000  }
0x196: {  	[sflag:s12] =	ssyncset.done $0x0  }
0x197: {  	s0 =	rddreg [dreg:$0x19];
	[sflag:s12] =	ssyncadd.s32 $0xFFFF8000  }
0x198: {  	[hbm4b:s0+s2] =	stream.linear.scatter [tilespmem:s9], [sflag:$0x6], $0x8000, $0x38;
	[tilespmem:$0x1AC00] =	vst v63  }
0x199: {  	_ =	swait.ge [sflag:s5], $0x8000  }
0x19a: {  	[sflag:s5] =	ssyncset.done $0x0  }
0x19b: {  	s0 =	rddreg [dreg:$0x1a];
	[sflag:s5] =	ssyncadd.s32 $0xFFFF8000  }
0x19c: {  	[hbm4b:s0+s2] =	stream.linear.scatter [tilespmem:s4], [sflag:$0x4], $0x8000, $0x38;
	[tilespmem:$0x1AC00] =	vst v63  }
0x19d: {  	_ =	swait.ge [sflag:s6], $0x8000  }
0x19e: {  	[sflag:s6] =	ssyncset.done $0x0  }
0x19f: {  	p1 =	sne.s32 s1, $0x1;
	[sflag:s6] =	ssyncadd.s32 $0xFFFF8000  }
.Ltmp2:
0x1a0: {  	_ =	swait.ge [sflag:s10], $0x8000;
	(pc) =	sbr.rel @p1 .LBB2_2-.Ltmp2, $4  }
0x1a1: {  	[sflag:s10] =	ssyncset.done $0x0  }
0x1a2: {  	[sflag:s10] =	ssyncadd.s32 $0xFFFF8000  }
0x1a3: {  	_ =	swait.ge [sflag:s8], $0x8000  }
0x1a4: {  	s1 =	sadd.s32 $0xFFFFFFFF, s1;
	s0 =	rddreg [dreg:$0x3];
	[sflag:s8] =	ssyncset.done $0x0  }
.LBB2_3:
0x1a5: {  	[sflag:s8] =	ssyncadd.s32 @p0 $0xFFFF8000  }
0x1a6: {  	[tilespmem:s2], [sflag:$0x7] =	stream.linear.gather [hbm4b:s0+s2], $0x200, $0x38;
	[tilespmem:$0x1AC00] =	vst v63  }
0x1a7: {  	_ =	swait.ge [sflag:s31], $0x200  }
0x1a8: {  	[sflag:s31] =	ssyncset.done $0x0  }
0x1a9: {  	s1 =	rddreg [dreg:$0x4];
	[sflag:s31] =	ssyncadd.s32 $0xFFFFFE00  }
0x1aa: {  	[tilespmem:s7], [sflag:$0x7] =	stream.linear.gather [hbm4b:s1+s2], $0x200, $0x38;
	[tilespmem:$0x1AC00] =	vst v63  }
0x1ab: {  	_ =	swait.ge [sflag:s31], $0x200  }
0x1ac: {  	[sflag:s31] =	ssyncset.done $0x0  }
0x1ad: {  	s1 =	rddreg [dreg:$0x5];
	[sflag:s31] =	ssyncadd.s32 $0xFFFFFE00  }
0x1ae: {  	[tilespmem:s30], [sflag:$0x7] =	stream.linear.gather [hbm4b:s1+s2], $0x2800, $0x38;
	[tilespmem:$0x1AC00] =	vst v63  }
0x1af: {  	_ =	swait.ge [sflag:s31], $0x2800  }
0x1b0: {  	[sflag:s31] =	ssyncset.done $0x0  }
0x1b1: {  	s1 =	rddreg [dreg:$0x2];
	[sflag:s31] =	ssyncadd.s32 $0xFFFFD800  }
0x1b2: {  	[tilespmem:s4], [sflag:$0x1] =	stream.indirect.gather [hbm4b:s1+s7], $0x40, s2, s7, $0xb8;
	[tilespmem:$0x1AC00] =	vst v63  }
0x1b3: {  	_ = 	snop  }
0x1b4: {  	[tilespmem:s11], [sflag:$0x2] =	stream.indirect.gather [hbm4b:s3+s7], $0x40, s7, s7, $0xb8;
	[tilespmem:$0x1AC00] =	vst v63  }
0x1b5: {  	_ =	swait.ge [sflag:s5], $0x8000  }
0x1b6: {  	[sflag:s5] =	ssyncset.done $0x0  }
0x1b7: {  	s1 =	rddreg [dreg:$0x6];
	[sflag:s5] =	ssyncadd.s32 $0xFFFF8000  }
0x1b8: {  	[hbm4b:s1+s2] =	stream.linear.scatter [tilespmem:s4], [sflag:$0x4], $0x8000, $0x38;
	[tilespmem:$0x1AC00] =	vst v63  }
0x1b9: {  	_ = 	snop  }
0x1ba: {  	[tilespmem:s9], [sflag:$0x3] =	stream.indirect.gather [hbm4b:s3+s7], $0x40, s30, s7, $0xb8;
	[tilespmem:$0x1AC00] =	vst v63  }
0x1bb: {  	_ =	swait.ge [sflag:s13], $0x8000  }
0x1bc: {  	[sflag:s13] =	ssyncset.done $0x0  }
0x1bd: {  	s31 =	rddreg [dreg:$0x7];
	[sflag:s13] =	ssyncadd.s32 $0xFFFF8000  }
0x1be: {  	[hbm4b:s31+s2] =	stream.linear.scatter [tilespmem:s11], [sflag:$0x5], $0x8000, $0x38;
	[tilespmem:$0x1AC00] =	vst v63  }
0x1bf: {  	_ =	swait.ge [sflag:s6], $0x8000  }
0x1c0: {  	[sflag:s6] =	ssyncset.done $0x0  }
0x1c1: {  	s1 =	rddreg [dreg:$0x1b];
	[sflag:s6] =	ssyncadd.s32 $0xFFFF8000  }
0x1c2: {  	[tilespmem:s4], [sflag:$0x1] =	stream.indirect.gather [hbm4b:s3+s7], $0x40, s1, s7, $0xb8;
	[tilespmem:$0x1AC00] =	vst v63  }
0x1c3: {  	_ =	swait.ge [sflag:s12], $0x8000  }
0x1c4: {  	[sflag:s12] =	ssyncset.done $0x0  }
0x1c5: {  	[sflag:s12] =	ssyncadd.s32 $0xFFFF8000  }
0x1c6: {  	[hbm4b:s24+s2] =	stream.linear.scatter [tilespmem:s9], [sflag:$0x6], $0x8000, $0x38;
	[tilespmem:$0x1AC00] =	vst v63  }
0x1c7: {  	_ =	swait.ge [sflag:s10], $0x8000  }
0x1c8: {  	[sflag:s10] =	ssyncset.done $0x0  }
0x1c9: {  	s24 =	rddreg [dreg:$0x1c];
	[sflag:s10] =	ssyncadd.s32 $0xFFFF8000  }
0x1ca: {  	[tilespmem:s11], [sflag:$0x2] =	stream.indirect.gather [hbm4b:s3+s7], $0x40, s24, s7, $0xb8;
	[tilespmem:$0x1AC00] =	vst v63  }
0x1cb: {  	_ =	swait.ge [sflag:s5], $0x8000  }
0x1cc: {  	[sflag:s5] =	ssyncset.done $0x0  }
0x1cd: {  	s30 =	rddreg [dreg:$0x8];
	[sflag:s5] =	ssyncadd.s32 $0xFFFF8000  }
0x1ce: {  	[hbm4b:s30+s2] =	stream.linear.scatter [tilespmem:s4], [sflag:$0x4], $0x8000, $0x38;
	[tilespmem:$0x1AC00] =	vst v63  }
0x1cf: {  	_ =	swait.ge [sflag:s8], $0x8000  }
0x1d0: {  	[sflag:s8] =	ssyncset.done $0x0  }
0x1d1: {  	s31 =	rddreg [dreg:$0x1d];
	[sflag:s8] =	ssyncadd.s32 $0xFFFF8000  }
0x1d2: {  	[tilespmem:s9], [sflag:$0x3] =	stream.indirect.gather [hbm4b:s3+s7], $0x40, s31, s7, $0xb8;
	[tilespmem:$0x1AC00] =	vst v63  }
0x1d3: {  	_ =	swait.ge [sflag:s13], $0x8000  }
0x1d4: {  	[sflag:s13] =	ssyncset.done $0x0  }
0x1d5: {  	s1 =	rddreg [dreg:$0x9];
	[sflag:s13] =	ssyncadd.s32 $0xFFFF8000  }
0x1d6: {  	[hbm4b:s1+s2] =	stream.linear.scatter [tilespmem:s11], [sflag:$0x5], $0x8000, $0x38;
	[tilespmem:$0x1AC00] =	vst v63  }
0x1d7: {  	_ =	swait.ge [sflag:s6], $0x8000  }
0x1d8: {  	[sflag:s6] =	ssyncset.done $0x0  }
0x1d9: {  	s24 =	rddreg [dreg:$0x1e];
	[sflag:s6] =	ssyncadd.s32 $0xFFFF8000  }
0x1da: {  	[tilespmem:s4], [sflag:$0x1] =	stream.indirect.gather [hbm4b:s3+s7], $0x40, s24, s7, $0xb8;
	[tilespmem:$0x1AC00] =	vst v63  }
0x1db: {  	_ =	swait.ge [sflag:s12], $0x8000  }
0x1dc: {  	[sflag:s12] =	ssyncset.done $0x0  }
0x1dd: {  	s30 =	rddreg [dreg:$0xa];
	[sflag:s12] =	ssyncadd.s32 $0xFFFF8000  }
0x1de: {  	[hbm4b:s30+s2] =	stream.linear.scatter [tilespmem:s9], [sflag:$0x6], $0x8000, $0x38;
	[tilespmem:$0x1AC00] =	vst v63  }
0x1df: {  	_ =	swait.ge [sflag:s10], $0x8000  }
0x1e0: {  	[sflag:s10] =	ssyncset.done $0x0  }
0x1e1: {  	s31 =	rddreg [dreg:$0x1f];
	[sflag:s10] =	ssyncadd.s32 $0xFFFF8000  }
0x1e2: {  	[tilespmem:s11], [sflag:$0x2] =	stream.indirect.gather [hbm4b:s3+s7], $0x40, s31, s7, $0xb8;
	[tilespmem:$0x1AC00] =	vst v63  }
0x1e3: {  	_ =	swait.ge [sflag:s5], $0x8000  }
0x1e4: {  	[sflag:s5] =	ssyncset.done $0x0  }
0x1e5: {  	s1 =	rddreg [dreg:$0xb];
	[sflag:s5] =	ssyncadd.s32 $0xFFFF8000  }
0x1e6: {  	[hbm4b:s1+s2] =	stream.linear.scatter [tilespmem:s4], [sflag:$0x4], $0x8000, $0x38;
	[tilespmem:$0x1AC00] =	vst v63  }
0x1e7: {  	_ =	swait.ge [sflag:s8], $0x8000  }
0x1e8: {  	[sflag:s8] =	ssyncset.done $0x0  }
0x1e9: {  	[sflag:s8] =	ssyncadd.s32 $0xFFFF8000  }
0x1ea: {  	[tilespmem:s9], [sflag:$0x3] =	stream.indirect.gather [hbm4b:s3+s7], $0x40, s29, s7, $0xb8;
	[tilespmem:$0x1AC00] =	vst v63  }
0x1eb: {  	_ =	swait.ge [sflag:s13], $0x8000  }
0x1ec: {  	[sflag:s13] =	ssyncset.done $0x0  }
0x1ed: {  	s24 =	rddreg [dreg:$0xc];
	[sflag:s13] =	ssyncadd.s32 $0xFFFF8000  }
0x1ee: {  	[hbm4b:s24+s2] =	stream.linear.scatter [tilespmem:s11], [sflag:$0x5], $0x8000, $0x38;
	[tilespmem:$0x1AC00] =	vst v63  }
0x1ef: {  	_ =	swait.ge [sflag:s6], $0x8000  }
0x1f0: {  	[sflag:s6] =	ssyncset.done $0x0  }
0x1f1: {  	[sflag:s6] =	ssyncadd.s32 $0xFFFF8000  }
0x1f2: {  	[tilespmem:s4], [sflag:$0x1] =	stream.indirect.gather [hbm4b:s3+s7], $0x40, s28, s7, $0xb8;
	[tilespmem:$0x1AC00] =	vst v63  }
0x1f3: {  	_ =	swait.ge [sflag:s12], $0x8000  }
0x1f4: {  	[sflag:s12] =	ssyncset.done $0x0  }
0x1f5: {  	s28 =	rddreg [dreg:$0xd];
	[sflag:s12] =	ssyncadd.s32 $0xFFFF8000  }
0x1f6: {  	[hbm4b:s28+s2] =	stream.linear.scatter [tilespmem:s9], [sflag:$0x6], $0x8000, $0x38;
	[tilespmem:$0x1AC00] =	vst v63  }
0x1f7: {  	_ =	swait.ge [sflag:s10], $0x8000  }
0x1f8: {  	[sflag:s10] =	ssyncset.done $0x0  }
0x1f9: {  	[sflag:s10] =	ssyncadd.s32 $0xFFFF8000  }
0x1fa: {  	[tilespmem:s11], [sflag:$0x2] =	stream.indirect.gather [hbm4b:s3+s7], $0x40, s26, s7, $0xb8;
	[tilespmem:$0x1AC00] =	vst v63  }
0x1fb: {  	_ =	swait.ge [sflag:s5], $0x8000  }
0x1fc: {  	[sflag:s5] =	ssyncset.done $0x0  }
0x1fd: {  	s29 =	rddreg [dreg:$0xe];
	[sflag:s5] =	ssyncadd.s32 $0xFFFF8000  }
0x1fe: {  	[hbm4b:s29+s2] =	stream.linear.scatter [tilespmem:s4], [sflag:$0x4], $0x8000, $0x38;
	[tilespmem:$0x1AC00] =	vst v63  }
0x1ff: {  	_ =	swait.ge [sflag:s8], $0x8000  }
0x200: {  	[sflag:s8] =	ssyncset.done $0x0  }
0x201: {  	[sflag:s8] =	ssyncadd.s32 $0xFFFF8000  }
0x202: {  	[tilespmem:s9], [sflag:$0x3] =	stream.indirect.gather [hbm4b:s3+s7], $0x40, s25, s7, $0xb8;
	[tilespmem:$0x1AC00] =	vst v63  }
0x203: {  	_ =	swait.ge [sflag:s13], $0x8000  }
0x204: {  	[sflag:s13] =	ssyncset.done $0x0  }
0x205: {  	s30 =	rddreg [dreg:$0xf];
	[sflag:s13] =	ssyncadd.s32 $0xFFFF8000  }
0x206: {  	[hbm4b:s30+s2] =	stream.linear.scatter [tilespmem:s11], [sflag:$0x5], $0x8000, $0x38;
	[tilespmem:$0x1AC00] =	vst v63  }
0x207: {  	_ =	swait.ge [sflag:s6], $0x8000  }
0x208: {  	[sflag:s6] =	ssyncset.done $0x0  }
0x209: {  	[sflag:s6] =	ssyncadd.s32 $0xFFFF8000  }
0x20a: {  	[tilespmem:s4], [sflag:$0x1] =	stream.indirect.gather [hbm4b:s3+s7], $0x40, s23, s7, $0xb8;
	[tilespmem:$0x1AC00] =	vst v63  }
0x20b: {  	_ =	swait.ge [sflag:s12], $0x8000  }
0x20c: {  	[sflag:s12] =	ssyncset.done $0x0  }
0x20d: {  	s31 =	rddreg [dreg:$0x10];
	[sflag:s12] =	ssyncadd.s32 $0xFFFF8000  }
0x20e: {  	[hbm4b:s31+s2] =	stream.linear.scatter [tilespmem:s9], [sflag:$0x6], $0x8000, $0x38;
	[tilespmem:$0x1AC00] =	vst v63  }
0x20f: {  	_ =	swait.ge [sflag:s10], $0x8000  }
0x210: {  	[sflag:s10] =	ssyncset.done $0x0  }
0x211: {  	[sflag:s10] =	ssyncadd.s32 $0xFFFF8000  }
0x212: {  	[tilespmem:s11], [sflag:$0x2] =	stream.indirect.gather [hbm4b:s3+s7], $0x40, s22, s7, $0xb8;
	[tilespmem:$0x1AC00] =	vst v63  }
0x213: {  	_ =	swait.ge [sflag:s5], $0x8000  }
0x214: {  	[sflag:s5] =	ssyncset.done $0x0  }
0x215: {  	s1 =	rddreg [dreg:$0x11];
	[sflag:s5] =	ssyncadd.s32 $0xFFFF8000  }
0x216: {  	[hbm4b:s1+s2] =	stream.linear.scatter [tilespmem:s4], [sflag:$0x4], $0x8000, $0x38;
	[tilespmem:$0x1AC00] =	vst v63  }
0x217: {  	_ =	swait.ge [sflag:s8], $0x8000  }
0x218: {  	[sflag:s8] =	ssyncset.done $0x0  }
0x219: {  	[sflag:s8] =	ssyncadd.s32 $0xFFFF8000  }
0x21a: {  	[tilespmem:s9], [sflag:$0x3] =	stream.indirect.gather [hbm4b:s3+s7], $0x40, s21, s7, $0xb8;
	[tilespmem:$0x1AC00] =	vst v63  }
0x21b: {  	_ =	swait.ge [sflag:s13], $0x8000  }
0x21c: {  	[sflag:s13] =	ssyncset.done $0x0  }
0x21d: {  	s21 =	rddreg [dreg:$0x12];
	[sflag:s13] =	ssyncadd.s32 $0xFFFF8000  }
0x21e: {  	[hbm4b:s21+s2] =	stream.linear.scatter [tilespmem:s11], [sflag:$0x5], $0x8000, $0x38;
	[tilespmem:$0x1AC00] =	vst v63  }
0x21f: {  	_ =	swait.ge [sflag:s6], $0x8000  }
0x220: {  	[sflag:s6] =	ssyncset.done $0x0  }
0x221: {  	[sflag:s6] =	ssyncadd.s32 $0xFFFF8000  }
0x222: {  	[tilespmem:s4], [sflag:$0x1] =	stream.indirect.gather [hbm4b:s3+s7], $0x40, s20, s7, $0xb8;
	[tilespmem:$0x1AC00] =	vst v63  }
0x223: {  	_ =	swait.ge [sflag:s12], $0x8000  }
0x224: {  	[sflag:s12] =	ssyncset.done $0x0  }
0x225: {  	s22 =	rddreg [dreg:$0x13];
	[sflag:s12] =	ssyncadd.s32 $0xFFFF8000  }
0x226: {  	[hbm4b:s22+s2] =	stream.linear.scatter [tilespmem:s9], [sflag:$0x6], $0x8000, $0x38;
	[tilespmem:$0x1AC00] =	vst v63  }
0x227: {  	_ =	swait.ge [sflag:s10], $0x8000  }
0x228: {  	[sflag:s10] =	ssyncset.done $0x0  }
0x229: {  	[sflag:s10] =	ssyncadd.s32 $0xFFFF8000  }
0x22a: {  	[tilespmem:s11], [sflag:$0x2] =	stream.indirect.gather [hbm4b:s3+s7], $0x40, s19, s7, $0xb8;
	[tilespmem:$0x1AC00] =	vst v63  }
0x22b: {  	_ =	swait.ge [sflag:s5], $0x8000  }
0x22c: {  	[sflag:s5] =	ssyncset.done $0x0  }
0x22d: {  	s23 =	rddreg [dreg:$0x14];
	[sflag:s5] =	ssyncadd.s32 $0xFFFF8000  }
0x22e: {  	[hbm4b:s23+s2] =	stream.linear.scatter [tilespmem:s4], [sflag:$0x4], $0x8000, $0x38;
	[tilespmem:$0x1AC00] =	vst v63  }
0x22f: {  	_ =	swait.ge [sflag:s8], $0x8000  }
0x230: {  	[sflag:s8] =	ssyncset.done $0x0  }
0x231: {  	[sflag:s8] =	ssyncadd.s32 $0xFFFF8000  }
0x232: {  	[tilespmem:s9], [sflag:$0x3] =	stream.indirect.gather [hbm4b:s3+s7], $0x40, s18, s7, $0xb8;
	[tilespmem:$0x1AC00] =	vst v63  }
0x233: {  	_ =	swait.ge [sflag:s13], $0x8000  }
0x234: {  	[sflag:s13] =	ssyncset.done $0x0  }
0x235: {  	s24 =	rddreg [dreg:$0x15];
	[sflag:s13] =	ssyncadd.s32 $0xFFFF8000  }
0x236: {  	[hbm4b:s24+s2] =	stream.linear.scatter [tilespmem:s11], [sflag:$0x5], $0x8000, $0x38;
	[tilespmem:$0x1AC00] =	vst v63  }
0x237: {  	_ =	swait.ge [sflag:s6], $0x8000  }
0x238: {  	[sflag:s6] =	ssyncset.done $0x0  }
0x239: {  	[sflag:s6] =	ssyncadd.s32 $0xFFFF8000  }
0x23a: {  	[tilespmem:s4], [sflag:$0x1] =	stream.indirect.gather [hbm4b:s3+s7], $0x40, s17, s7, $0xb8;
	[tilespmem:$0x1AC00] =	vst v63  }
0x23b: {  	_ =	swait.ge [sflag:s12], $0x8000  }
0x23c: {  	[sflag:s12] =	ssyncset.done $0x0  }
0x23d: {  	s25 =	rddreg [dreg:$0x16];
	[sflag:s12] =	ssyncadd.s32 $0xFFFF8000  }
0x23e: {  	[hbm4b:s25+s2] =	stream.linear.scatter [tilespmem:s9], [sflag:$0x6], $0x8000, $0x38;
	[tilespmem:$0x1AC00] =	vst v63  }
0x23f: {  	_ =	swait.ge [sflag:s10], $0x8000  }
0x240: {  	[sflag:s10] =	ssyncset.done $0x0  }
0x241: {  	[sflag:s10] =	ssyncadd.s32 $0xFFFF8000  }
0x242: {  	[tilespmem:s11], [sflag:$0x2] =	stream.indirect.gather [hbm4b:s3+s7], $0x40, s16, s7, $0xb8;
	[tilespmem:$0x1AC00] =	vst v63  }
0x243: {  	_ =	swait.ge [sflag:s5], $0x8000  }
0x244: {  	[sflag:s5] =	ssyncset.done $0x0  }
0x245: {  	s26 =	rddreg [dreg:$0x17];
	[sflag:s5] =	ssyncadd.s32 $0xFFFF8000  }
0x246: {  	[hbm4b:s26+s2] =	stream.linear.scatter [tilespmem:s4], [sflag:$0x4], $0x8000, $0x38;
	[tilespmem:$0x1AC00] =	vst v63  }
0x247: {  	_ =	swait.ge [sflag:s8], $0x8000  }
0x248: {  	[sflag:s8] =	ssyncset.done $0x0  }
0x249: {  	[sflag:s8] =	ssyncadd.s32 $0xFFFF8000  }
0x24a: {  	[tilespmem:s9], [sflag:$0x3] =	stream.indirect.gather [hbm4b:s3+s7], $0x40, s15, s7, $0xb8;
	[tilespmem:$0x1AC00] =	vst v63  }
0x24b: {  	_ =	swait.ge [sflag:s13], $0x8000  }
0x24c: {  	[sflag:s13] =	ssyncset.done $0x0  }
0x24d: {  	s28 =	rddreg [dreg:$0x18];
	[sflag:s13] =	ssyncadd.s32 $0xFFFF8000  }
0x24e: {  	[hbm4b:s28+s2] =	stream.linear.scatter [tilespmem:s11], [sflag:$0x5], $0x8000, $0x38;
	[tilespmem:$0x1AC00] =	vst v63  }
0x24f: {  	_ =	swait.ge [sflag:s6], $0x8000  }
0x250: {  	[sflag:s6] =	ssyncset.done $0x0  }
0x251: {  	[sflag:s6] =	ssyncadd.s32 $0xFFFF8000  }
0x252: {  	[tilespmem:s4], [sflag:$0x1] =	stream.indirect.gather [hbm4b:s3+s7], $0x40, s14, s7, $0xb8;
	[tilespmem:$0x1AC00] =	vst v63  }
0x253: {  	_ =	swait.ge [sflag:s12], $0x8000  }
0x254: {  	[sflag:s12] =	ssyncset.done $0x0  }
0x255: {  	s29 =	rddreg [dreg:$0x19];
	[sflag:s12] =	ssyncadd.s32 $0xFFFF8000  }
0x256: {  	[hbm4b:s29+s2] =	stream.linear.scatter [tilespmem:s9], [sflag:$0x6], $0x8000, $0x38;
	[tilespmem:$0x1AC00] =	vst v63  }
0x257: {  	_ =	swait.ge [sflag:s5], $0x8000  }
0x258: {  	[sflag:s5] =	ssyncset.done $0x0  }
0x259: {  	s30 =	rddreg [dreg:$0x1a];
	[sflag:s5] =	ssyncadd.s32 $0xFFFF8000  }
0x25a: {  	[hbm4b:s30+s2] =	stream.linear.scatter [tilespmem:s4], [sflag:$0x4], $0x8000, $0x38;
	[tilespmem:$0x1AC00] =	vst v63  }
0x25b: {  	_ =	swait.ge [sflag:s6], $0x8000  }
0x25c: {  	[sflag:s6] =	ssyncset.done $0x0  }
0x25d: {  	[sflag:s6] =	ssyncadd.s32 $0xFFFF8000  }
0x25e: {  	_ =	swait.ge [sflag:s10], $0x8000  }
0x25f: {  	[sflag:s10] =	ssyncset.done $0x0  }
0x260: {  	[sflag:s10] =	ssyncadd.s32 $0xFFFF8000  }
0x261: {  	_ =	swait.ge [sflag:s8], $0x8000  }
0x262: {  	[sflag:s8] =	ssyncset.done $0x0  }
0x263: {  	[sflag:s8] =	ssyncadd.s32 $0xFFFF8000  }
0x264: {  	_ =	sfence.sel $0x180000  }
0x265: {  	[bflag:$0x0] =	sbarrier.arrive $0xFFFF  }
0x266: {  	_ =	strace $0x90000047  }
0x267: {  	s31 =	stileid.u32;
	[bflag:$0x2] =	sbarrier.arrive $0xFFFF  }
0x268: {  	p0 =	sne.s32 s31, $0x0;
	s0 =	rddreg [dreg:$0x1]  }
0x269: {  	s0 =	sadd.s32 @!p0 $0x100000, s0  }
0x26a: {  	[sflag:s0] =	ssyncadd.tile.s32 @!p0 $0x1;
	_ =	shalt  }
.Lfunc_end2:
_tile_overlayer_lowered:
.L_overlay_start_2:
0x26b: {  	(tag) =	ssettag $0x2  }
0x26c: {  	s0 =	rddreg [dreg:$0x0];
	s2 =	stileid.u32  }
0x26d: {  	s1 =	rddreg [dreg:$0x1];
	p0 =	sne.s32 s2, $0x0  }
0x26e: {  	s3 =	rddreg [dreg:$0x2];
	[bflag:$0x3] =	sbarrier.arrive $0xFFFF;
	s2 =	simm.s32 @!p0 $0x1C07  }
0x26f: {  	[timem:s3], [sflag:s2] =	dma.local @!p0 [hbm:s0], s1  }
0x270: {  	s0 =	simm.s32 @!p0 $0x7  }
0x271: {  	_ =	swait.ge @!p0 [sflag:s0], s1  }
0x272: {  	s1 =	ssub.s32 @!p0 $0x0, s1;
	[sflag:s0] =	ssyncset.done @!p0 $0x0  }
0x273: {  	[sflag:s0] =	ssyncadd.s32 @!p0 s1  }
0x274: {  	[bflag:$0x3] =	sbarrier.arrive $0xFFFF  }
0x275: {  	_ =	shalt  }

</sc_bundles>
